<compile_context>
chip_gen: v7x
topology: tpu7x:2x2x1
jax: 0.10.2.dev20260603
libtpu: 0.0.44.dev20260713+nightly
codegen_flags: <defaults>
</compile_context>

<pallas_src>
import functools

import jax
import jax.numpy as jnp
from jax import lax
from jax.experimental import pallas as pl
from jax.experimental.pallas import tpu as pltpu
from jax.experimental.pallas import tpu_sc as plsc

_NC = 2
_NS = 16
_L = 16
_NW = _NC * _NS


@functools.lru_cache(maxsize=None)
def _make_kernel(B, S, V, D):
    POS_W = S // _NW
    CH = 16
    NB = 6
    P = 3
    NCH = (B * POS_W) // CH
    H = POS_W // CH

    mesh = plsc.VectorSubcoreMesh(
        core_axis_name="c", subcore_axis_name="s",
        num_cores=_NC, num_subcores=_NS,
    )

    @functools.partial(
        pl.kernel,
        out_type=jax.ShapeDtypeStruct((B * S, D), jnp.float32),
        mesh=mesh,
        scratch_types=[
            pltpu.VMEM((B, POS_W), jnp.int32),
            pltpu.VMEM((POS_W, D), jnp.float32),
            pltpu.VMEM((NB * CH, D), jnp.float32),
            pltpu.SemaphoreType.DMA,
            pltpu.SemaphoreType.DMA,
            pltpu.SemaphoreType.DMA,
            pltpu.SemaphoreType.DMA,
        ],
    )
    def tok_pos_embed(ids_hbm, tok_hbm, pos_hbm, out_hbm,
                      ids_v, pos_buf, ring, gsem, psem, wsem, isem):
        wid = lax.axis_index("s") * _NC + lax.axis_index("c")
        p0 = wid * POS_W
        id_cps = [
            pltpu.async_copy(ids_hbm.at[b, pl.ds(p0, POS_W)], ids_v.at[b], isem)
            for b in range(B)
        ]
        for cp in id_cps:
            cp.wait()

        def pos_piece(h):
            return pltpu.make_async_copy(
                pos_hbm.at[pl.ds(p0 + h * CH, CH)],
                pos_buf.at[pl.ds(h * CH, CH)], psem)

        def gather_copy(k):
            slot = pl.multiple_of(lax.rem(k, NB) * CH, CH)
            idx = ids_v.at[k // H, pl.ds(pl.multiple_of(lax.rem(k, H) * CH, CH), CH)]
            return pltpu.make_async_copy(
                tok_hbm.at[idx], ring.at[pl.ds(slot, CH)], gsem)

        def wb_copy(k):
            slot = pl.multiple_of(lax.rem(k, NB) * CH, CH)
            out_off = pl.multiple_of(
                (k // H) * S + p0 + lax.rem(k, H) * CH, CH)
            return pltpu.make_async_copy(
                ring.at[pl.ds(slot, CH)], out_hbm.at[pl.ds(out_off, CH)], wsem)

        pos_piece(0).start()
        for k in range(P):
            gather_copy(k).start()
            if k + 1 < POS_W // CH:
                pos_piece(k + 1).start()

        def chunk_body(k, carry):
            @pl.when(k < POS_W // CH)
            def _():
                pos_piece(k).wait()

            gather_copy(k).wait()

            kb = pl.multiple_of(lax.rem(k, NB) * CH, CH)
            off = pl.multiple_of(lax.rem(k, H) * CH, CH)

            @plsc.parallel_loop(0, CH)
            def add_row(r):
                for j in range(D // _L):
                    sl = pl.ds(j * _L, _L)
                    plsc.addupdate(ring.at[kb + r, sl], pos_buf[off + r, sl])

            wb_copy(k).start()

            @pl.when(k + P - NB >= 0)
            def _():
                wb_copy(k + P - NB).wait()

            @pl.when(k + P < NCH)
            def _():
                gather_copy(k + P).start()

            return carry

        lax.fori_loop(0, NCH, chunk_body, 0, unroll=False)
        for t in range(NCH - (NB - P), NCH):
            wb_copy(t).wait()

    return tok_pos_embed


def kernel(input_ids, token_table, pos_table):
    B, S = input_ids.shape
    V, D = token_table.shape
    ids = input_ids.astype(jnp.int32)
    out = _make_kernel(B, S, V, D)(ids, token_table, pos_table)
    return out.reshape(B, S, D)

# --- scband reference (transcript-rebuilt; emitter-appended) ---
"""Pipeline reference for scband-token-and-position-embedding-34574486733353 (READ-ONLY COPY).

The authoritative reference and input builder live on the scoring server;
editing this copy changes nothing except your own understanding.
"""

import jax, jax.numpy as jnp
import numpy as np

VOCAB = 100000
MAXLEN = 2048
D_MODEL = 768
BATCH = 4
SEQ = 2048


def setup_inputs(seed: int = 0) -> dict:
    key = jax.random.key(seed)
    k1, k2, k3 = jax.random.split(key, 3)
    input_ids = jax.random.randint(k1, (BATCH, SEQ), 0, VOCAB, dtype=jnp.int64 if jax.config.jax_enable_x64 else jnp.int32)
    # learned parameters: keras Embedding default init is uniform(-0.05, 0.05)
    token_table = jax.random.uniform(k2, (VOCAB, D_MODEL), minval=-0.05, maxval=0.05, dtype=jnp.float32)
    pos_table = jax.random.uniform(k3, (MAXLEN, D_MODEL), minval=-0.05, maxval=0.05, dtype=jnp.float32)
    return {"input_ids": input_ids, "token_table": token_table, "pos_table": pos_table}


def reference(input_ids, token_table, pos_table):
    # token embedding lookup: gather rows of token_table
    tok = jnp.take(token_table, input_ids, axis=0)  # [B, S, D]
    # position embedding: positions = range(seq_len)
    seq_len = input_ids.shape[-1]
    positions = jnp.arange(seq_len)
    pos = jnp.take(pos_table, positions, axis=0)  # [S, D]
    return tok + pos[None, :, :]

if __name__ == "__main__":
    import jax
    _d = setup_inputs()
    print(jax.jit(kernel)(*tuple(_d.values())))

</pallas_src>

<mosaic_0001>
#map = affine_map<(d0, d1) -> (0, 0)>
module attributes {stable_mosaic.version = 14 : i64} {
  func.func @tok_pos_embed(%arg0: i32, %arg1: i32, %arg2: memref<4x2048xi32, #tpu.memory_space<hbm>>, %arg3: memref<100000x768xf32, #tpu.memory_space<hbm>>, %arg4: memref<2048x768xf32, #tpu.memory_space<hbm>>, %arg5: memref<8192x768xf32, #tpu.memory_space<hbm>>, %arg6: memref<4x64xi32, #tpu.memory_space<vmem>>, %arg7: memref<64x768xf32, #tpu.memory_space<vmem>>, %arg8: memref<96x768xf32, #tpu.memory_space<vmem>>, %arg9: memref<!tpu.dma_semaphore, #tpu.memory_space<semaphore_mem>>, %arg10: memref<!tpu.dma_semaphore, #tpu.memory_space<semaphore_mem>>, %arg11: memref<!tpu.dma_semaphore, #tpu.memory_space<semaphore_mem>>, %arg12: memref<!tpu.dma_semaphore, #tpu.memory_space<semaphore_mem>>) attributes {dimension_semantics = [#tpu.dimension_semantics<core_parallel>, #tpu.dimension_semantics<subcore_parallel>], iteration_bounds = array<i64: 2, 16>, scalar_prefetch = 0 : i64, scratch_operands = 7 : i64, tpu.core_type = #tpu.core_type<sc_vector_subcore>, window_params = [{transform_indices = #map}, {transform_indices = #map}, {transform_indices = #map}, {transform_indices = #map}]} {
    %mul3A = arith.constant 2 : i32
    %mul3A_0 = arith.muli %arg1, %mul3A : i32
    %add3A = arith.addi %mul3A_0, %arg0 : i32
    %mul3A_1 = arith.constant 64 : i32
    %mul3A_2 = arith.muli %add3A, %mul3A_1 : i32
    %dma_start3A = arith.constant 0 : i32
    %dma_start3A_3 = arith.constant 0 : i32
    %dma_start3A_4 = arith.constant 0 : i32
    %dma_start3A_5 = tpu.memref_slice %arg6[%dma_start3A_3, %dma_start3A_4] : memref<4x64xi32, #tpu.memory_space<vmem>> -> memref<1x64xi32, #tpu.memory_space<vmem>>
    %dma_start3A_6 = tpu.memref_squeeze %dma_start3A_5 : memref<1x64xi32, #tpu.memory_space<vmem>> -> memref<64xi32, #tpu.memory_space<vmem>>
    %dma_start3A_7 = tpu.memref_slice %arg2[%dma_start3A, %mul3A_2] : memref<4x2048xi32, #tpu.memory_space<hbm>> -> memref<1x64xi32, #tpu.memory_space<hbm>>
    %dma_start3A_8 = tpu.memref_squeeze %dma_start3A_7 : memref<1x64xi32, #tpu.memory_space<hbm>> -> memref<64xi32, #tpu.memory_space<hbm>>
    %dma_start3A_9 = arith.constant 0 : i32
    %dma_start3A_10 = tpu.memref_slice %arg6[%dma_start3A_3, %dma_start3A_9] : memref<4x64xi32, #tpu.memory_space<vmem>> -> memref<1x64xi32, #tpu.memory_space<vmem>>
    %dma_start3A_11 = tpu.memref_squeeze %dma_start3A_10 : memref<1x64xi32, #tpu.memory_space<vmem>> -> memref<64xi32, #tpu.memory_space<vmem>>
    %dma_start3A_12 = tpu.memref_slice %arg2[%dma_start3A, %mul3A_2] : memref<4x2048xi32, #tpu.memory_space<hbm>> -> memref<1x64xi32, #tpu.memory_space<hbm>>
    %dma_start3A_13 = tpu.memref_squeeze %dma_start3A_12 : memref<1x64xi32, #tpu.memory_space<hbm>> -> memref<64xi32, #tpu.memory_space<hbm>>
    tpu.enqueue_dma source(%dma_start3A_13 : memref<64xi32, #tpu.memory_space<hbm>>) target(%dma_start3A_11 : memref<64xi32, #tpu.memory_space<vmem>>) target_semaphore(%arg12 : memref<!tpu.dma_semaphore, #tpu.memory_space<semaphore_mem>>)
    %dma_start3A_14 = arith.constant 1 : i32
    %dma_start3A_15 = arith.constant 1 : i32
    %dma_start3A_16 = arith.constant 0 : i32
    %dma_start3A_17 = tpu.memref_slice %arg6[%dma_start3A_15, %dma_start3A_16] : memref<4x64xi32, #tpu.memory_space<vmem>> -> memref<1x64xi32, #tpu.memory_space<vmem>>
    %dma_start3A_18 = tpu.memref_squeeze %dma_start3A_17 : memref<1x64xi32, #tpu.memory_space<vmem>> -> memref<64xi32, #tpu.memory_space<vmem>>
    %dma_start3A_19 = tpu.memref_slice %arg2[%dma_start3A_14, %mul3A_2] : memref<4x2048xi32, #tpu.memory_space<hbm>> -> memref<1x64xi32, #tpu.memory_space<hbm>>
    %dma_start3A_20 = tpu.memref_squeeze %dma_start3A_19 : memref<1x64xi32, #tpu.memory_space<hbm>> -> memref<64xi32, #tpu.memory_space<hbm>>
    %dma_start3A_21 = arith.constant 0 : i32
    %dma_start3A_22 = tpu.memref_slice %arg6[%dma_start3A_15, %dma_start3A_21] : memref<4x64xi32, #tpu.memory_space<vmem>> -> memref<1x64xi32, #tpu.memory_space<vmem>>
    %dma_start3A_23 = tpu.memref_squeeze %dma_start3A_22 : memref<1x64xi32, #tpu.memory_space<vmem>> -> memref<64xi32, #tpu.memory_space<vmem>>
    %dma_start3A_24 = tpu.memref_slice %arg2[%dma_start3A_14, %mul3A_2] : memref<4x2048xi32, #tpu.memory_space<hbm>> -> memref<1x64xi32, #tpu.memory_space<hbm>>
    %dma_start3A_25 = tpu.memref_squeeze %dma_start3A_24 : memref<1x64xi32, #tpu.memory_space<hbm>> -> memref<64xi32, #tpu.memory_space<hbm>>
    tpu.enqueue_dma source(%dma_start3A_25 : memref<64xi32, #tpu.memory_space<hbm>>) target(%dma_start3A_23 : memref<64xi32, #tpu.memory_space<vmem>>) target_semaphore(%arg12 : memref<!tpu.dma_semaphore, #tpu.memory_space<semaphore_mem>>)
    %dma_start3A_26 = arith.constant 2 : i32
    %dma_start3A_27 = arith.constant 2 : i32
    %dma_start3A_28 = arith.constant 0 : i32
    %dma_start3A_29 = tpu.memref_slice %arg6[%dma_start3A_27, %dma_start3A_28] : memref<4x64xi32, #tpu.memory_space<vmem>> -> memref<1x64xi32, #tpu.memory_space<vmem>>
    %dma_start3A_30 = tpu.memref_squeeze %dma_start3A_29 : memref<1x64xi32, #tpu.memory_space<vmem>> -> memref<64xi32, #tpu.memory_space<vmem>>
    %dma_start3A_31 = tpu.memref_slice %arg2[%dma_start3A_26, %mul3A_2] : memref<4x2048xi32, #tpu.memory_space<hbm>> -> memref<1x64xi32, #tpu.memory_space<hbm>>
    %dma_start3A_32 = tpu.memref_squeeze %dma_start3A_31 : memref<1x64xi32, #tpu.memory_space<hbm>> -> memref<64xi32, #tpu.memory_space<hbm>>
    %dma_start3A_33 = arith.constant 0 : i32
    %dma_start3A_34 = tpu.memref_slice %arg6[%dma_start3A_27, %dma_start3A_33] : memref<4x64xi32, #tpu.memory_space<vmem>> -> memref<1x64xi32, #tpu.memory_space<vmem>>
    %dma_start3A_35 = tpu.memref_squeeze %dma_start3A_34 : memref<1x64xi32, #tpu.memory_space<vmem>> -> memref<64xi32, #tpu.memory_space<vmem>>
    %dma_start3A_36 = tpu.memref_slice %arg2[%dma_start3A_26, %mul3A_2] : memref<4x2048xi32, #tpu.memory_space<hbm>> -> memref<1x64xi32, #tpu.memory_space<hbm>>
    %dma_start3A_37 = tpu.memref_squeeze %dma_start3A_36 : memref<1x64xi32, #tpu.memory_space<hbm>> -> memref<64xi32, #tpu.memory_space<hbm>>
    tpu.enqueue_dma source(%dma_start3A_37 : memref<64xi32, #tpu.memory_space<hbm>>) target(%dma_start3A_35 : memref<64xi32, #tpu.memory_space<vmem>>) target_semaphore(%arg12 : memref<!tpu.dma_semaphore, #tpu.memory_space<semaphore_mem>>)
    %dma_start3A_38 = arith.constant 3 : i32
    %dma_start3A_39 = arith.constant 3 : i32
    %dma_start3A_40 = arith.constant 0 : i32
    %dma_start3A_41 = tpu.memref_slice %arg6[%dma_start3A_39, %dma_start3A_40] : memref<4x64xi32, #tpu.memory_space<vmem>> -> memref<1x64xi32, #tpu.memory_space<vmem>>
    %dma_start3A_42 = tpu.memref_squeeze %dma_start3A_41 : memref<1x64xi32, #tpu.memory_space<vmem>> -> memref<64xi32, #tpu.memory_space<vmem>>
    %dma_start3A_43 = tpu.memref_slice %arg2[%dma_start3A_38, %mul3A_2] : memref<4x2048xi32, #tpu.memory_space<hbm>> -> memref<1x64xi32, #tpu.memory_space<hbm>>
    %dma_start3A_44 = tpu.memref_squeeze %dma_start3A_43 : memref<1x64xi32, #tpu.memory_space<hbm>> -> memref<64xi32, #tpu.memory_space<hbm>>
    %dma_start3A_45 = arith.constant 0 : i32
    %dma_start3A_46 = tpu.memref_slice %arg6[%dma_start3A_39, %dma_start3A_45] : memref<4x64xi32, #tpu.memory_space<vmem>> -> memref<1x64xi32, #tpu.memory_space<vmem>>
    %dma_start3A_47 = tpu.memref_squeeze %dma_start3A_46 : memref<1x64xi32, #tpu.memory_space<vmem>> -> memref<64xi32, #tpu.memory_space<vmem>>
    %dma_start3A_48 = tpu.memref_slice %arg2[%dma_start3A_38, %mul3A_2] : memref<4x2048xi32, #tpu.memory_space<hbm>> -> memref<1x64xi32, #tpu.memory_space<hbm>>
    %dma_start3A_49 = tpu.memref_squeeze %dma_start3A_48 : memref<1x64xi32, #tpu.memory_space<hbm>> -> memref<64xi32, #tpu.memory_space<hbm>>
    tpu.enqueue_dma source(%dma_start3A_49 : memref<64xi32, #tpu.memory_space<hbm>>) target(%dma_start3A_47 : memref<64xi32, #tpu.memory_space<vmem>>) target_semaphore(%arg12 : memref<!tpu.dma_semaphore, #tpu.memory_space<semaphore_mem>>)
    %dma_wait3A = arith.constant 0 : i32
    %dma_wait3A_50 = arith.constant 0 : i32
    %dma_wait3A_51 = arith.constant 0 : i32
    %dma_wait3A_52 = tpu.memref_slice %arg6[%dma_wait3A_50, %dma_wait3A_51] : memref<4x64xi32, #tpu.memory_space<vmem>> -> memref<1x64xi32, #tpu.memory_space<vmem>>
    %dma_wait3A_53 = tpu.memref_squeeze %dma_wait3A_52 : memref<1x64xi32, #tpu.memory_space<vmem>> -> memref<64xi32, #tpu.memory_space<vmem>>
    %dma_wait3A_54 = tpu.memref_slice %arg2[%dma_wait3A, %mul3A_2] : memref<4x2048xi32, #tpu.memory_space<hbm>> -> memref<1x64xi32, #tpu.memory_space<hbm>>
    %dma_wait3A_55 = tpu.memref_squeeze %dma_wait3A_54 : memref<1x64xi32, #tpu.memory_space<hbm>> -> memref<64xi32, #tpu.memory_space<hbm>>
    %dma_wait3A_56 = arith.constant 0 : i32
    %dma_wait3A_57 = tpu.memref_slice %arg6[%dma_wait3A_50, %dma_wait3A_56] : memref<4x64xi32, #tpu.memory_space<vmem>> -> memref<1x64xi32, #tpu.memory_space<vmem>>
    %dma_wait3A_58 = tpu.memref_squeeze %dma_wait3A_57 : memref<1x64xi32, #tpu.memory_space<vmem>> -> memref<64xi32, #tpu.memory_space<vmem>>
    %dma_wait3A_59 = tpu.memref_slice %arg2[%dma_wait3A, %mul3A_2] : memref<4x2048xi32, #tpu.memory_space<hbm>> -> memref<1x64xi32, #tpu.memory_space<hbm>>
    %dma_wait3A_60 = tpu.memref_squeeze %dma_wait3A_59 : memref<1x64xi32, #tpu.memory_space<hbm>> -> memref<64xi32, #tpu.memory_space<hbm>>
    tpu.wait_dma2 semaphore(%arg12 : memref<!tpu.dma_semaphore, #tpu.memory_space<semaphore_mem>>) src(%dma_wait3A_60 : memref<64xi32, #tpu.memory_space<hbm>>) dst(%dma_wait3A_58 : memref<64xi32, #tpu.memory_space<vmem>>)
    %dma_wait3A_61 = arith.constant 1 : i32
    %dma_wait3A_62 = arith.constant 1 : i32
    %dma_wait3A_63 = arith.constant 0 : i32
    %dma_wait3A_64 = tpu.memref_slice %arg6[%dma_wait3A_62, %dma_wait3A_63] : memref<4x64xi32, #tpu.memory_space<vmem>> -> memref<1x64xi32, #tpu.memory_space<vmem>>
    %dma_wait3A_65 = tpu.memref_squeeze %dma_wait3A_64 : memref<1x64xi32, #tpu.memory_space<vmem>> -> memref<64xi32, #tpu.memory_space<vmem>>
    %dma_wait3A_66 = tpu.memref_slice %arg2[%dma_wait3A_61, %mul3A_2] : memref<4x2048xi32, #tpu.memory_space<hbm>> -> memref<1x64xi32, #tpu.memory_space<hbm>>
    %dma_wait3A_67 = tpu.memref_squeeze %dma_wait3A_66 : memref<1x64xi32, #tpu.memory_space<hbm>> -> memref<64xi32, #tpu.memory_space<hbm>>
    %dma_wait3A_68 = arith.constant 0 : i32
    %dma_wait3A_69 = tpu.memref_slice %arg6[%dma_wait3A_62, %dma_wait3A_68] : memref<4x64xi32, #tpu.memory_space<vmem>> -> memref<1x64xi32, #tpu.memory_space<vmem>>
    %dma_wait3A_70 = tpu.memref_squeeze %dma_wait3A_69 : memref<1x64xi32, #tpu.memory_space<vmem>> -> memref<64xi32, #tpu.memory_space<vmem>>
    %dma_wait3A_71 = tpu.memref_slice %arg2[%dma_wait3A_61, %mul3A_2] : memref<4x2048xi32, #tpu.memory_space<hbm>> -> memref<1x64xi32, #tpu.memory_space<hbm>>
    %dma_wait3A_72 = tpu.memref_squeeze %dma_wait3A_71 : memref<1x64xi32, #tpu.memory_space<hbm>> -> memref<64xi32, #tpu.memory_space<hbm>>
    tpu.wait_dma2 semaphore(%arg12 : memref<!tpu.dma_semaphore, #tpu.memory_space<semaphore_mem>>) src(%dma_wait3A_72 : memref<64xi32, #tpu.memory_space<hbm>>) dst(%dma_wait3A_70 : memref<64xi32, #tpu.memory_space<vmem>>)
    %dma_wait3A_73 = arith.constant 2 : i32
    %dma_wait3A_74 = arith.constant 2 : i32
    %dma_wait3A_75 = arith.constant 0 : i32
    %dma_wait3A_76 = tpu.memref_slice %arg6[%dma_wait3A_74, %dma_wait3A_75] : memref<4x64xi32, #tpu.memory_space<vmem>> -> memref<1x64xi32, #tpu.memory_space<vmem>>
    %dma_wait3A_77 = tpu.memref_squeeze %dma_wait3A_76 : memref<1x64xi32, #tpu.memory_space<vmem>> -> memref<64xi32, #tpu.memory_space<vmem>>
    %dma_wait3A_78 = tpu.memref_slice %arg2[%dma_wait3A_73, %mul3A_2] : memref<4x2048xi32, #tpu.memory_space<hbm>> -> memref<1x64xi32, #tpu.memory_space<hbm>>
    %dma_wait3A_79 = tpu.memref_squeeze %dma_wait3A_78 : memref<1x64xi32, #tpu.memory_space<hbm>> -> memref<64xi32, #tpu.memory_space<hbm>>
    %dma_wait3A_80 = arith.constant 0 : i32
    %dma_wait3A_81 = tpu.memref_slice %arg6[%dma_wait3A_74, %dma_wait3A_80] : memref<4x64xi32, #tpu.memory_space<vmem>> -> memref<1x64xi32, #tpu.memory_space<vmem>>
    %dma_wait3A_82 = tpu.memref_squeeze %dma_wait3A_81 : memref<1x64xi32, #tpu.memory_space<vmem>> -> memref<64xi32, #tpu.memory_space<vmem>>
    %dma_wait3A_83 = tpu.memref_slice %arg2[%dma_wait3A_73, %mul3A_2] : memref<4x2048xi32, #tpu.memory_space<hbm>> -> memref<1x64xi32, #tpu.memory_space<hbm>>
    %dma_wait3A_84 = tpu.memref_squeeze %dma_wait3A_83 : memref<1x64xi32, #tpu.memory_space<hbm>> -> memref<64xi32, #tpu.memory_space<hbm>>
    tpu.wait_dma2 semaphore(%arg12 : memref<!tpu.dma_semaphore, #tpu.memory_space<semaphore_mem>>) src(%dma_wait3A_84 : memref<64xi32, #tpu.memory_space<hbm>>) dst(%dma_wait3A_82 : memref<64xi32, #tpu.memory_space<vmem>>)
    %dma_wait3A_85 = arith.constant 3 : i32
    %dma_wait3A_86 = arith.constant 3 : i32
    %dma_wait3A_87 = arith.constant 0 : i32
    %dma_wait3A_88 = tpu.memref_slice %arg6[%dma_wait3A_86, %dma_wait3A_87] : memref<4x64xi32, #tpu.memory_space<vmem>> -> memref<1x64xi32, #tpu.memory_space<vmem>>
    %dma_wait3A_89 = tpu.memref_squeeze %dma_wait3A_88 : memref<1x64xi32, #tpu.memory_space<vmem>> -> memref<64xi32, #tpu.memory_space<vmem>>
    %dma_wait3A_90 = tpu.memref_slice %arg2[%dma_wait3A_85, %mul3A_2] : memref<4x2048xi32, #tpu.memory_space<hbm>> -> memref<1x64xi32, #tpu.memory_space<hbm>>
    %dma_wait3A_91 = tpu.memref_squeeze %dma_wait3A_90 : memref<1x64xi32, #tpu.memory_space<hbm>> -> memref<64xi32, #tpu.memory_space<hbm>>
    %dma_wait3A_92 = arith.constant 0 : i32
    %dma_wait3A_93 = tpu.memref_slice %arg6[%dma_wait3A_86, %dma_wait3A_92] : memref<4x64xi32, #tpu.memory_space<vmem>> -> memref<1x64xi32, #tpu.memory_space<vmem>>
    %dma_wait3A_94 = tpu.memref_squeeze %dma_wait3A_93 : memref<1x64xi32, #tpu.memory_space<vmem>> -> memref<64xi32, #tpu.memory_space<vmem>>
    %dma_wait3A_95 = tpu.memref_slice %arg2[%dma_wait3A_85, %mul3A_2] : memref<4x2048xi32, #tpu.memory_space<hbm>> -> memref<1x64xi32, #tpu.memory_space<hbm>>
    %dma_wait3A_96 = tpu.memref_squeeze %dma_wait3A_95 : memref<1x64xi32, #tpu.memory_space<hbm>> -> memref<64xi32, #tpu.memory_space<hbm>>
    tpu.wait_dma2 semaphore(%arg12 : memref<!tpu.dma_semaphore, #tpu.memory_space<semaphore_mem>>) src(%dma_wait3A_96 : memref<64xi32, #tpu.memory_space<hbm>>) dst(%dma_wait3A_94 : memref<64xi32, #tpu.memory_space<vmem>>)
    %add3A_97 = arith.constant 0 : i32
    %add3A_98 = arith.addi %mul3A_2, %add3A_97 : i32
    %dma_start3A_99 = arith.constant 0 : i32
    %dma_start3A_100 = arith.constant 0 : i32
    %dma_start3A_101 = tpu.memref_slice %arg7[%dma_start3A_99, %dma_start3A_100] : memref<64x768xf32, #tpu.memory_space<vmem>> -> memref<16x768xf32, #tpu.memory_space<vmem>>
    %dma_start3A_102 = arith.constant 0 : i32
    %dma_start3A_103 = tpu.memref_slice %arg4[%add3A_98, %dma_start3A_102] : memref<2048x768xf32, #tpu.memory_space<hbm>> -> memref<16x768xf32, #tpu.memory_space<hbm>>
    %dma_start3A_104 = arith.constant 0 : i32
    %dma_start3A_105 = arith.constant 0 : i32
    %dma_start3A_106 = tpu.memref_slice %arg7[%dma_start3A_104, %dma_start3A_105] : memref<64x768xf32, #tpu.memory_space<vmem>> -> memref<16x768xf32, #tpu.memory_space<vmem>>
    %dma_start3A_107 = arith.constant 0 : i32
    %dma_start3A_108 = tpu.memref_slice %arg4[%add3A_98, %dma_start3A_107] : memref<2048x768xf32, #tpu.memory_space<hbm>> -> memref<16x768xf32, #tpu.memory_space<hbm>>
    tpu.enqueue_dma source(%dma_start3A_108 : memref<16x768xf32, #tpu.memory_space<hbm>>) target(%dma_start3A_106 : memref<16x768xf32, #tpu.memory_space<vmem>>) target_semaphore(%arg10 : memref<!tpu.dma_semaphore, #tpu.memory_space<semaphore_mem>>)
    %rem3A = arith.constant 0 : i32
    %rem3A_109 = arith.constant 6 : i32
    %rem3A_110 = arith.remsi %rem3A, %rem3A_109 : i32
    %mul3A_111 = arith.constant 16 : i32
    %mul3A_112 = arith.muli %rem3A_110, %mul3A_111 : i32
    %multiple_of3A = tpu.assume_multiple %mul3A_112, 16 : i32
    %rem3A_113 = arith.constant 0 : i32
    %rem3A_114 = arith.constant 4 : i32
    %rem3A_115 = arith.remsi %rem3A_113, %rem3A_114 : i32
    %mul3A_116 = arith.constant 16 : i32
    %mul3A_117 = arith.muli %rem3A_115, %mul3A_116 : i32
    %multiple_of3A_118 = tpu.assume_multiple %mul3A_117, 16 : i32
    %dma_start3A_119 = arith.constant 0 : i32
    %dma_start3A_120 = arith.constant 0 : i32
    %dma_start3A_121 = tpu.memref_slice %arg8[%multiple_of3A, %dma_start3A_120] : memref<96x768xf32, #tpu.memory_space<vmem>> -> memref<16x768xf32, #tpu.memory_space<vmem>>
    %dma_start3A_122 = tpu.memref_slice %arg6[%dma_start3A_119, %multiple_of3A_118] : memref<4x64xi32, #tpu.memory_space<vmem>> -> memref<1x16xi32, #tpu.memory_space<vmem>>
    %dma_start3A_123 = tpu.memref_squeeze %dma_start3A_122 : memref<1x16xi32, #tpu.memory_space<vmem>> -> memref<16xi32, #tpu.memory_space<vmem>>
    %dma_start3A_124 = arith.constant 0 : i32
    %dma_start3A_125 = arith.constant 0 : i32
    %dma_start3A_126 = tpu.memref_slice %arg3[%dma_start3A_124, %dma_start3A_125] : memref<100000x768xf32, #tpu.memory_space<hbm>> -> memref<100000x768xf32, #tpu.memory_space<hbm>>
    tpu.enqueue_indirect_dma source(%dma_start3A_126 : memref<100000x768xf32, #tpu.memory_space<hbm>>) target(%dma_start3A_121 : memref<16x768xf32, #tpu.memory_space<vmem>>) offsets(%dma_start3A_123 : memref<16xi32, #tpu.memory_space<vmem>>) semaphore(%arg9 : memref<!tpu.dma_semaphore, #tpu.memory_space<semaphore_mem>>)
    %add3A_127 = arith.constant 16 : i32
    %add3A_128 = arith.addi %mul3A_2, %add3A_127 : i32
    %dma_start3A_129 = arith.constant 16 : i32
    %dma_start3A_130 = arith.constant 0 : i32
    %dma_start3A_131 = tpu.memref_slice %arg7[%dma_start3A_129, %dma_start3A_130] : memref<64x768xf32, #tpu.memory_space<vmem>> -> memref<16x768xf32, #tpu.memory_space<vmem>>
    %dma_start3A_132 = arith.constant 0 : i32
    %dma_start3A_133 = tpu.memref_slice %arg4[%add3A_128, %dma_start3A_132] : memref<2048x768xf32, #tpu.memory_space<hbm>> -> memref<16x768xf32, #tpu.memory_space<hbm>>
    %dma_start3A_134 = arith.constant 16 : i32
    %dma_start3A_135 = arith.constant 0 : i32
    %dma_start3A_136 = tpu.memref_slice %arg7[%dma_start3A_134, %dma_start3A_135] : memref<64x768xf32, #tpu.memory_space<vmem>> -> memref<16x768xf32, #tpu.memory_space<vmem>>
    %dma_start3A_137 = arith.constant 0 : i32
    %dma_start3A_138 = tpu.memref_slice %arg4[%add3A_128, %dma_start3A_137] : memref<2048x768xf32, #tpu.memory_space<hbm>> -> memref<16x768xf32, #tpu.memory_space<hbm>>
    tpu.enqueue_dma source(%dma_start3A_138 : memref<16x768xf32, #tpu.memory_space<hbm>>) target(%dma_start3A_136 : memref<16x768xf32, #tpu.memory_space<vmem>>) target_semaphore(%arg10 : memref<!tpu.dma_semaphore, #tpu.memory_space<semaphore_mem>>)
    %rem3A_139 = arith.constant 1 : i32
    %rem3A_140 = arith.constant 6 : i32
    %rem3A_141 = arith.remsi %rem3A_139, %rem3A_140 : i32
    %mul3A_142 = arith.constant 16 : i32
    %mul3A_143 = arith.muli %rem3A_141, %mul3A_142 : i32
    %multiple_of3A_144 = tpu.assume_multiple %mul3A_143, 16 : i32
    %rem3A_145 = arith.constant 1 : i32
    %rem3A_146 = arith.constant 4 : i32
    %rem3A_147 = arith.remsi %rem3A_145, %rem3A_146 : i32
    %mul3A_148 = arith.constant 16 : i32
    %mul3A_149 = arith.muli %rem3A_147, %mul3A_148 : i32
    %multiple_of3A_150 = tpu.assume_multiple %mul3A_149, 16 : i32
    %dma_start3A_151 = arith.constant 0 : i32
    %dma_start3A_152 = arith.constant 0 : i32
    %dma_start3A_153 = tpu.memref_slice %arg8[%multiple_of3A_144, %dma_start3A_152] : memref<96x768xf32, #tpu.memory_space<vmem>> -> memref<16x768xf32, #tpu.memory_space<vmem>>
    %dma_start3A_154 = tpu.memref_slice %arg6[%dma_start3A_151, %multiple_of3A_150] : memref<4x64xi32, #tpu.memory_space<vmem>> -> memref<1x16xi32, #tpu.memory_space<vmem>>
    %dma_start3A_155 = tpu.memref_squeeze %dma_start3A_154 : memref<1x16xi32, #tpu.memory_space<vmem>> -> memref<16xi32, #tpu.memory_space<vmem>>
    %dma_start3A_156 = arith.constant 0 : i32
    %dma_start3A_157 = arith.constant 0 : i32
    %dma_start3A_158 = tpu.memref_slice %arg3[%dma_start3A_156, %dma_start3A_157] : memref<100000x768xf32, #tpu.memory_space<hbm>> -> memref<100000x768xf32, #tpu.memory_space<hbm>>
    tpu.enqueue_indirect_dma source(%dma_start3A_158 : memref<100000x768xf32, #tpu.memory_space<hbm>>) target(%dma_start3A_153 : memref<16x768xf32, #tpu.memory_space<vmem>>) offsets(%dma_start3A_155 : memref<16xi32, #tpu.memory_space<vmem>>) semaphore(%arg9 : memref<!tpu.dma_semaphore, #tpu.memory_space<semaphore_mem>>)
    %add3A_159 = arith.constant 32 : i32
    %add3A_160 = arith.addi %mul3A_2, %add3A_159 : i32
    %dma_start3A_161 = arith.constant 32 : i32
    %dma_start3A_162 = arith.constant 0 : i32
    %dma_start3A_163 = tpu.memref_slice %arg7[%dma_start3A_161, %dma_start3A_162] : memref<64x768xf32, #tpu.memory_space<vmem>> -> memref<16x768xf32, #tpu.memory_space<vmem>>
    %dma_start3A_164 = arith.constant 0 : i32
    %dma_start3A_165 = tpu.memref_slice %arg4[%add3A_160, %dma_start3A_164] : memref<2048x768xf32, #tpu.memory_space<hbm>> -> memref<16x768xf32, #tpu.memory_space<hbm>>
    %dma_start3A_166 = arith.constant 32 : i32
    %dma_start3A_167 = arith.constant 0 : i32
    %dma_start3A_168 = tpu.memref_slice %arg7[%dma_start3A_166, %dma_start3A_167] : memref<64x768xf32, #tpu.memory_space<vmem>> -> memref<16x768xf32, #tpu.memory_space<vmem>>
    %dma_start3A_169 = arith.constant 0 : i32
    %dma_start3A_170 = tpu.memref_slice %arg4[%add3A_160, %dma_start3A_169] : memref<2048x768xf32, #tpu.memory_space<hbm>> -> memref<16x768xf32, #tpu.memory_space<hbm>>
    tpu.enqueue_dma source(%dma_start3A_170 : memref<16x768xf32, #tpu.memory_space<hbm>>) target(%dma_start3A_168 : memref<16x768xf32, #tpu.memory_space<vmem>>) target_semaphore(%arg10 : memref<!tpu.dma_semaphore, #tpu.memory_space<semaphore_mem>>)
    %rem3A_171 = arith.constant 2 : i32
    %rem3A_172 = arith.constant 6 : i32
    %rem3A_173 = arith.remsi %rem3A_171, %rem3A_172 : i32
    %mul3A_174 = arith.constant 16 : i32
    %mul3A_175 = arith.muli %rem3A_173, %mul3A_174 : i32
    %multiple_of3A_176 = tpu.assume_multiple %mul3A_175, 16 : i32
    %rem3A_177 = arith.constant 2 : i32
    %rem3A_178 = arith.constant 4 : i32
    %rem3A_179 = arith.remsi %rem3A_177, %rem3A_178 : i32
    %mul3A_180 = arith.constant 16 : i32
    %mul3A_181 = arith.muli %rem3A_179, %mul3A_180 : i32
    %multiple_of3A_182 = tpu.assume_multiple %mul3A_181, 16 : i32
    %dma_start3A_183 = arith.constant 0 : i32
    %dma_start3A_184 = arith.constant 0 : i32
    %dma_start3A_185 = tpu.memref_slice %arg8[%multiple_of3A_176, %dma_start3A_184] : memref<96x768xf32, #tpu.memory_space<vmem>> -> memref<16x768xf32, #tpu.memory_space<vmem>>
    %dma_start3A_186 = tpu.memref_slice %arg6[%dma_start3A_183, %multiple_of3A_182] : memref<4x64xi32, #tpu.memory_space<vmem>> -> memref<1x16xi32, #tpu.memory_space<vmem>>
    %dma_start3A_187 = tpu.memref_squeeze %dma_start3A_186 : memref<1x16xi32, #tpu.memory_space<vmem>> -> memref<16xi32, #tpu.memory_space<vmem>>
    %dma_start3A_188 = arith.constant 0 : i32
    %dma_start3A_189 = arith.constant 0 : i32
    %dma_start3A_190 = tpu.memref_slice %arg3[%dma_start3A_188, %dma_start3A_189] : memref<100000x768xf32, #tpu.memory_space<hbm>> -> memref<100000x768xf32, #tpu.memory_space<hbm>>
    tpu.enqueue_indirect_dma source(%dma_start3A_190 : memref<100000x768xf32, #tpu.memory_space<hbm>>) target(%dma_start3A_185 : memref<16x768xf32, #tpu.memory_space<vmem>>) offsets(%dma_start3A_187 : memref<16xi32, #tpu.memory_space<vmem>>) semaphore(%arg9 : memref<!tpu.dma_semaphore, #tpu.memory_space<semaphore_mem>>)
    %add3A_191 = arith.constant 48 : i32
    %add3A_192 = arith.addi %mul3A_2, %add3A_191 : i32
    %dma_start3A_193 = arith.constant 48 : i32
    %dma_start3A_194 = arith.constant 0 : i32
    %dma_start3A_195 = tpu.memref_slice %arg7[%dma_start3A_193, %dma_start3A_194] : memref<64x768xf32, #tpu.memory_space<vmem>> -> memref<16x768xf32, #tpu.memory_space<vmem>>
    %dma_start3A_196 = arith.constant 0 : i32
    %dma_start3A_197 = tpu.memref_slice %arg4[%add3A_192, %dma_start3A_196] : memref<2048x768xf32, #tpu.memory_space<hbm>> -> memref<16x768xf32, #tpu.memory_space<hbm>>
    %dma_start3A_198 = arith.constant 48 : i32
    %dma_start3A_199 = arith.constant 0 : i32
    %dma_start3A_200 = tpu.memref_slice %arg7[%dma_start3A_198, %dma_start3A_199] : memref<64x768xf32, #tpu.memory_space<vmem>> -> memref<16x768xf32, #tpu.memory_space<vmem>>
    %dma_start3A_201 = arith.constant 0 : i32
    %dma_start3A_202 = tpu.memref_slice %arg4[%add3A_192, %dma_start3A_201] : memref<2048x768xf32, #tpu.memory_space<hbm>> -> memref<16x768xf32, #tpu.memory_space<hbm>>
    tpu.enqueue_dma source(%dma_start3A_202 : memref<16x768xf32, #tpu.memory_space<hbm>>) target(%dma_start3A_200 : memref<16x768xf32, #tpu.memory_space<vmem>>) target_semaphore(%arg10 : memref<!tpu.dma_semaphore, #tpu.memory_space<semaphore_mem>>)
    %scan3A = arith.constant 0 : i32
    %scan3A_203 = arith.constant 0 : i32
    %scan3A_204 = arith.constant 16 : i32
    %scan3A_205 = arith.addi %scan3A_203, %scan3A_204 : i32
    %scan3A_206 = arith.constant 1 : i32
    scf.for %scan3A_277 = %scan3A_203 to %scan3A_205 step %scan3A_206  : i32 {
      %lt3A = arith.constant 4 : i32
      %lt3A_278 = arith.cmpi slt, %scan3A_277, %lt3A : i32
      %convert_element_type3A = arith.extui %lt3A_278 : i1 to i32
      %cond3A = arith.constant 0 : i32
      %cond3A_279 = arith.cmpi ne, %convert_element_type3A, %cond3A : i32
      scf.if %cond3A_279 {
        %mul3A_387 = arith.constant 16 : i32
        %mul3A_388 = arith.muli %scan3A_277, %mul3A_387 : i32
        %add3A_389 = arith.addi %mul3A_2, %mul3A_388 : i32
        %mul3A_390 = arith.constant 16 : i32
        %mul3A_391 = arith.muli %scan3A_277, %mul3A_390 : i32
        %dma_wait3A_392 = arith.constant 0 : i32
        %dma_wait3A_393 = tpu.memref_slice %arg7[%mul3A_391, %dma_wait3A_392] : memref<64x768xf32, #tpu.memory_space<vmem>> -> memref<16x768xf32, #tpu.memory_space<vmem>>
        %dma_wait3A_394 = arith.constant 0 : i32
        %dma_wait3A_395 = tpu.memref_slice %arg4[%add3A_389, %dma_wait3A_394] : memref<2048x768xf32, #tpu.memory_space<hbm>> -> memref<16x768xf32, #tpu.memory_space<hbm>>
        %dma_wait3A_396 = arith.constant 0 : i32
        %dma_wait3A_397 = tpu.memref_slice %arg7[%mul3A_391, %dma_wait3A_396] : memref<64x768xf32, #tpu.memory_space<vmem>> -> memref<16x768xf32, #tpu.memory_space<vmem>>
        %dma_wait3A_398 = arith.constant 0 : i32
        %dma_wait3A_399 = tpu.memref_slice %arg4[%add3A_389, %dma_wait3A_398] : memref<2048x768xf32, #tpu.memory_space<hbm>> -> memref<16x768xf32, #tpu.memory_space<hbm>>
        tpu.wait_dma2 semaphore(%arg10 : memref<!tpu.dma_semaphore, #tpu.memory_space<semaphore_mem>>) src(%dma_wait3A_399 : memref<16x768xf32, #tpu.memory_space<hbm>>) dst(%dma_wait3A_397 : memref<16x768xf32, #tpu.memory_space<vmem>>)
      } else {
      }
      %rem3A_280 = arith.constant 6 : i32
      %rem3A_281 = arith.remsi %scan3A_277, %rem3A_280 : i32
      %mul3A_282 = arith.constant 16 : i32
      %mul3A_283 = arith.muli %rem3A_281, %mul3A_282 : i32
      %multiple_of3A_284 = tpu.assume_multiple %mul3A_283, 16 : i32
      %jit3A = arith.constant 4 : i32
      %div3A = arith.divsi %scan3A_277, %jit3A : i32
      %sign3A = arith.constant 0 : i32
      %sign3A_285 = arith.cmpi sgt, %scan3A_277, %sign3A : i32
      %sign3A_286 = arith.extui %sign3A_285 : i1 to i32
      %sign3A_287 = arith.constant 0 : i32
      %sign3A_288 = arith.cmpi slt, %scan3A_277, %sign3A_287 : i32
      %sign3A_289 = arith.extui %sign3A_288 : i1 to i32
      %sign3A_290 = arith.subi %sign3A_286, %sign3A_289 : i32
      %sign3A_291 = arith.constant 0 : i32
      %sign3A_292 = arith.cmpi sgt, %jit3A, %sign3A_291 : i32
      %sign3A_293 = arith.extui %sign3A_292 : i1 to i32
      %sign3A_294 = arith.constant 0 : i32
      %sign3A_295 = arith.cmpi slt, %jit3A, %sign3A_294 : i32
      %sign3A_296 = arith.extui %sign3A_295 : i1 to i32
      %sign3A_297 = arith.subi %sign3A_293, %sign3A_296 : i32
      %ne3A = arith.cmpi ne, %sign3A_290, %sign3A_297 : i32
      %rem3A_298 = arith.remsi %scan3A_277, %jit3A : i32
      %ne3A_299 = arith.constant 0 : i32
      %ne3A_300 = arith.cmpi ne, %rem3A_298, %ne3A_299 : i32
      %and3A = arith.andi %ne3A, %ne3A_300 : i1
      %sub3A = arith.constant 1 : i32
      %sub3A_301 = arith.subi %div3A, %sub3A : i32
      %select_n3A = arith.select %and3A, %sub3A_301, %div3A : i32
      %rem3A_302 = arith.constant 4 : i32
      %rem3A_303 = arith.remsi %scan3A_277, %rem3A_302 : i32
      %mul3A_304 = arith.constant 16 : i32
      %mul3A_305 = arith.muli %rem3A_303, %mul3A_304 : i32
      %multiple_of3A_306 = tpu.assume_multiple %mul3A_305, 16 : i32
      %dma_wait3A_307 = arith.constant 0 : i32
      %dma_wait3A_308 = tpu.memref_slice %arg8[%multiple_of3A_284, %dma_wait3A_307] : memref<96x768xf32, #tpu.memory_space<vmem>> -> memref<16x768xf32, #tpu.memory_space<vmem>>
      %dma_wait3A_309 = tpu.memref_slice %arg6[%select_n3A, %multiple_of3A_306] : memref<4x64xi32, #tpu.memory_space<vmem>> -> memref<1x16xi32, #tpu.memory_space<vmem>>
      %dma_wait3A_310 = tpu.memref_squeeze %dma_wait3A_309 : memref<1x16xi32, #tpu.memory_space<vmem>> -> memref<16xi32, #tpu.memory_space<vmem>>
      %dma_wait3A_311 = arith.constant 0 : i32
      %dma_wait3A_312 = arith.constant 0 : i32
      %dma_wait3A_313 = tpu.memref_slice %arg3[%dma_wait3A_311, %dma_wait3A_312] : memref<100000x768xf32, #tpu.memory_space<hbm>> -> memref<100000x768xf32, #tpu.memory_space<hbm>>
      tpu.wait_indirect_dma semaphore(%arg9 : memref<!tpu.dma_semaphore, #tpu.memory_space<semaphore_mem>>) src(%dma_wait3A_313 : memref<100000x768xf32, #tpu.memory_space<hbm>>) dst(%dma_wait3A_308 : memref<16x768xf32, #tpu.memory_space<vmem>>)
      %rem3A_314 = arith.constant 6 : i32
      %rem3A_315 = arith.remsi %scan3A_277, %rem3A_314 : i32
      %mul3A_316 = arith.constant 16 : i32
      %mul3A_317 = arith.muli %rem3A_315, %mul3A_316 : i32
      %multiple_of3A_318 = tpu.assume_multiple %mul3A_317, 16 : i32
      %rem3A_319 = arith.constant 4 : i32
      %rem3A_320 = arith.remsi %scan3A_277, %rem3A_319 : i32
      %mul3A_321 = arith.constant 16 : i32
      %mul3A_322 = arith.muli %rem3A_320, %mul3A_321 : i32
      %multiple_of3A_323 = tpu.assume_multiple %mul3A_322, 16 : i32
      %parallel_loop3A = arith.constant 0 : i32
      %parallel_loop3A_324 = arith.constant 16 : i32
      %parallel_loop3A_325 = arith.constant 1 : i32
      scf.for %parallel_loop3A_387 = %parallel_loop3A to %parallel_loop3A_324 step %parallel_loop3A_325  : i32 {
        %parallel_loop3A_388 = arith.addi %multiple_of3A_318, %parallel_loop3A_387 : i32
        %parallel_loop3A_389 = arith.addi %multiple_of3A_323, %parallel_loop3A_387 : i32
        %parallel_loop3A_390 = arith.index_cast %parallel_loop3A_389 : i32 to index
        %parallel_loop3A_391 = arith.constant 0 : index
        %parallel_loop3A_392 = tpu.vector_load %arg7[%parallel_loop3A_390, %parallel_loop3A_391] {strides = array<i32>} : memref<64x768xf32, #tpu.memory_space<vmem>>, vector<1x16xf32>,
        %parallel_loop3A_393 = vector.shape_cast %parallel_loop3A_392 : vector<1x16xf32> to vector<16xf32>
        %parallel_loop3A_394 = arith.index_cast %parallel_loop3A_388 : i32 to index
        %parallel_loop3A_395 = arith.constant 0 : index
        %parallel_loop3A_396 = tpu.vector_load %arg8[%parallel_loop3A_394, %parallel_loop3A_395] {strides = array<i32>} : memref<96x768xf32, #tpu.memory_space<vmem>>, vector<1x16xf32>,
        %parallel_loop3A_397 = vector.shape_cast %parallel_loop3A_396 : vector<1x16xf32> to vector<16xf32>
        %parallel_loop3A_398 = vector.shape_cast %parallel_loop3A_393 : vector<16xf32> to vector<1x16xf32>
        tpu.vector_store %arg8[%parallel_loop3A_394, %parallel_loop3A_395], %parallel_loop3A_398 {add = true, strides = array<i32>} : memref<96x768xf32, #tpu.memory_space<vmem>>, vector<1x16xf32>,
        %parallel_loop3A_399 = arith.addi %multiple_of3A_318, %parallel_loop3A_387 : i32
        %parallel_loop3A_400 = arith.addi %multiple_of3A_323, %parallel_loop3A_387 : i32
        %parallel_loop3A_401 = arith.index_cast %parallel_loop3A_400 : i32 to index
        %parallel_loop3A_402 = arith.constant 16 : index
        %parallel_loop3A_403 = tpu.vector_load %arg7[%parallel_loop3A_401, %parallel_loop3A_402] {strides = array<i32>} : memref<64x768xf32, #tpu.memory_space<vmem>>, vector<1x16xf32>,
        %parallel_loop3A_404 = vector.shape_cast %parallel_loop3A_403 : vector<1x16xf32> to vector<16xf32>
        %parallel_loop3A_405 = arith.index_cast %parallel_loop3A_399 : i32 to index
        %parallel_loop3A_406 = arith.constant 16 : index
        %parallel_loop3A_407 = tpu.vector_load %arg8[%parallel_loop3A_405, %parallel_loop3A_406] {strides = array<i32>} : memref<96x768xf32, #tpu.memory_space<vmem>>, vector<1x16xf32>,
        %parallel_loop3A_408 = vector.shape_cast %parallel_loop3A_407 : vector<1x16xf32> to vector<16xf32>
        %parallel_loop3A_409 = vector.shape_cast %parallel_loop3A_404 : vector<16xf32> to vector<1x16xf32>
        tpu.vector_store %arg8[%parallel_loop3A_405, %parallel_loop3A_406], %parallel_loop3A_409 {add = true, strides = array<i32>} : memref<96x768xf32, #tpu.memory_space<vmem>>, vector<1x16xf32>,
        %parallel_loop3A_410 = arith.addi %multiple_of3A_318, %parallel_loop3A_387 : i32
        %parallel_loop3A_411 = arith.addi %multiple_of3A_323, %parallel_loop3A_387 : i32
        %parallel_loop3A_412 = arith.index_cast %parallel_loop3A_411 : i32 to index
        %parallel_loop3A_413 = arith.constant 32 : index
        %parallel_loop3A_414 = tpu.vector_load %arg7[%parallel_loop3A_412, %parallel_loop3A_413] {strides = array<i32>} : memref<64x768xf32, #tpu.memory_space<vmem>>, vector<1x16xf32>,
        %parallel_loop3A_415 = vector.shape_cast %parallel_loop3A_414 : vector<1x16xf32> to vector<16xf32>
        %parallel_loop3A_416 = arith.index_cast %parallel_loop3A_410 : i32 to index
        %parallel_loop3A_417 = arith.constant 32 : index
        %parallel_loop3A_418 = tpu.vector_load %arg8[%parallel_loop3A_416, %parallel_loop3A_417] {strides = array<i32>} : memref<96x768xf32, #tpu.memory_space<vmem>>, vector<1x16xf32>,
        %parallel_loop3A_419 = vector.shape_cast %parallel_loop3A_418 : vector<1x16xf32> to vector<16xf32>
        %parallel_loop3A_420 = vector.shape_cast %parallel_loop3A_415 : vector<16xf32> to vector<1x16xf32>
        tpu.vector_store %arg8[%parallel_loop3A_416, %parallel_loop3A_417], %parallel_loop3A_420 {add = true, strides = array<i32>} : memref<96x768xf32, #tpu.memory_space<vmem>>, vector<1x16xf32>,
        %parallel_loop3A_421 = arith.addi %multiple_of3A_318, %parallel_loop3A_387 : i32
        %parallel_loop3A_422 = arith.addi %multiple_of3A_323, %parallel_loop3A_387 : i32
        %parallel_loop3A_423 = arith.index_cast %parallel_loop3A_422 : i32 to index
        %parallel_loop3A_424 = arith.constant 48 : index
        %parallel_loop3A_425 = tpu.vector_load %arg7[%parallel_loop3A_423, %parallel_loop3A_424] {strides = array<i32>} : memref<64x768xf32, #tpu.memory_space<vmem>>, vector<1x16xf32>,
        %parallel_loop3A_426 = vector.shape_cast %parallel_loop3A_425 : vector<1x16xf32> to vector<16xf32>
        %parallel_loop3A_427 = arith.index_cast %parallel_loop3A_421 : i32 to index
        %parallel_loop3A_428 = arith.constant 48 : index
        %parallel_loop3A_429 = tpu.vector_load %arg8[%parallel_loop3A_427, %parallel_loop3A_428] {strides = array<i32>} : memref<96x768xf32, #tpu.memory_space<vmem>>, vector<1x16xf32>,
        %parallel_loop3A_430 = vector.shape_cast %parallel_loop3A_429 : vector<1x16xf32> to vector<16xf32>
        %parallel_loop3A_431 = vector.shape_cast %parallel_loop3A_426 : vector<16xf32> to vector<1x16xf32>
        tpu.vector_store %arg8[%parallel_loop3A_427, %parallel_loop3A_428], %parallel_loop3A_431 {add = true, strides = array<i32>} : memref<96x768xf32, #tpu.memory_space<vmem>>, vector<1x16xf32>,
        %parallel_loop3A_432 = arith.addi %multiple_of3A_318, %parallel_loop3A_387 : i32
        %parallel_loop3A_433 = arith.addi %multiple_of3A_323, %parallel_loop3A_387 : i32
        %parallel_loop3A_434 = arith.index_cast %parallel_loop3A_433 : i32 to index
        %parallel_loop3A_435 = arith.constant 64 : index
        %parallel_loop3A_436 = tpu.vector_load %arg7[%parallel_loop3A_434, %parallel_loop3A_435] {strides = array<i32>} : memref<64x768xf32, #tpu.memory_space<vmem>>, vector<1x16xf32>,
        %parallel_loop3A_437 = vector.shape_cast %parallel_loop3A_436 : vector<1x16xf32> to vector<16xf32>
        %parallel_loop3A_438 = arith.index_cast %parallel_loop3A_432 : i32 to index
        %parallel_loop3A_439 = arith.constant 64 : index
        %parallel_loop3A_440 = tpu.vector_load %arg8[%parallel_loop3A_438, %parallel_loop3A_439] {strides = array<i32>} : memref<96x768xf32, #tpu.memory_space<vmem>>, vector<1x16xf32>,
        %parallel_loop3A_441 = vector.shape_cast %parallel_loop3A_440 : vector<1x16xf32> to vector<16xf32>
        %parallel_loop3A_442 = vector.shape_cast %parallel_loop3A_437 : vector<16xf32> to vector<1x16xf32>
        tpu.vector_store %arg8[%parallel_loop3A_438, %parallel_loop3A_439], %parallel_loop3A_442 {add = true, strides = array<i32>} : memref<96x768xf32, #tpu.memory_space<vmem>>, vector<1x16xf32>,
        %parallel_loop3A_443 = arith.addi %multiple_of3A_318, %parallel_loop3A_387 : i32
        %parallel_loop3A_444 = arith.addi %multiple_of3A_323, %parallel_loop3A_387 : i32
        %parallel_loop3A_445 = arith.index_cast %parallel_loop3A_444 : i32 to index
        %parallel_loop3A_446 = arith.constant 80 : index
        %parallel_loop3A_447 = tpu.vector_load %arg7[%parallel_loop3A_445, %parallel_loop3A_446] {strides = array<i32>} : memref<64x768xf32, #tpu.memory_space<vmem>>, vector<1x16xf32>,
        %parallel_loop3A_448 = vector.shape_cast %parallel_loop3A_447 : vector<1x16xf32> to vector<16xf32>
        %parallel_loop3A_449 = arith.index_cast %parallel_loop3A_443 : i32 to index
        %parallel_loop3A_450 = arith.constant 80 : index
        %parallel_loop3A_451 = tpu.vector_load %arg8[%parallel_loop3A_449, %parallel_loop3A_450] {strides = array<i32>} : memref<96x768xf32, #tpu.memory_space<vmem>>, vector<1x16xf32>,
        %parallel_loop3A_452 = vector.shape_cast %parallel_loop3A_451 : vector<1x16xf32> to vector<16xf32>
        %parallel_loop3A_453 = vector.shape_cast %parallel_loop3A_448 : vector<16xf32> to vector<1x16xf32>
        tpu.vector_store %arg8[%parallel_loop3A_449, %parallel_loop3A_450], %parallel_loop3A_453 {add = true, strides = array<i32>} : memref<96x768xf32, #tpu.memory_space<vmem>>, vector<1x16xf32>,
        %parallel_loop3A_454 = arith.addi %multiple_of3A_318, %parallel_loop3A_387 : i32
        %parallel_loop3A_455 = arith.addi %multiple_of3A_323, %parallel_loop3A_387 : i32
        %parallel_loop3A_456 = arith.index_cast %parallel_loop3A_455 : i32 to index
        %parallel_loop3A_457 = arith.constant 96 : index
        %parallel_loop3A_458 = tpu.vector_load %arg7[%parallel_loop3A_456, %parallel_loop3A_457] {strides = array<i32>} : memref<64x768xf32, #tpu.memory_space<vmem>>, vector<1x16xf32>,
        %parallel_loop3A_459 = vector.shape_cast %parallel_loop3A_458 : vector<1x16xf32> to vector<16xf32>
        %parallel_loop3A_460 = arith.index_cast %parallel_loop3A_454 : i32 to index
        %parallel_loop3A_461 = arith.constant 96 : index
        %parallel_loop3A_462 = tpu.vector_load %arg8[%parallel_loop3A_460, %parallel_loop3A_461] {strides = array<i32>} : memref<96x768xf32, #tpu.memory_space<vmem>>, vector<1x16xf32>,
        %parallel_loop3A_463 = vector.shape_cast %parallel_loop3A_462 : vector<1x16xf32> to vector<16xf32>
        %parallel_loop3A_464 = vector.shape_cast %parallel_loop3A_459 : vector<16xf32> to vector<1x16xf32>
        tpu.vector_store %arg8[%parallel_loop3A_460, %parallel_loop3A_461], %parallel_loop3A_464 {add = true, strides = array<i32>} : memref<96x768xf32, #tpu.memory_space<vmem>>, vector<1x16xf32>,
        %parallel_loop3A_465 = arith.addi %multiple_of3A_318, %parallel_loop3A_387 : i32
        %parallel_loop3A_466 = arith.addi %multiple_of3A_323, %parallel_loop3A_387 : i32
        %parallel_loop3A_467 = arith.index_cast %parallel_loop3A_466 : i32 to index
        %parallel_loop3A_468 = arith.constant 112 : index
        %parallel_loop3A_469 = tpu.vector_load %arg7[%parallel_loop3A_467, %parallel_loop3A_468] {strides = array<i32>} : memref<64x768xf32, #tpu.memory_space<vmem>>, vector<1x16xf32>,
        %parallel_loop3A_470 = vector.shape_cast %parallel_loop3A_469 : vector<1x16xf32> to vector<16xf32>
        %parallel_loop3A_471 = arith.index_cast %parallel_loop3A_465 : i32 to index
        %parallel_loop3A_472 = arith.constant 112 : index
        %parallel_loop3A_473 = tpu.vector_load %arg8[%parallel_loop3A_471, %parallel_loop3A_472] {strides = array<i32>} : memref<96x768xf32, #tpu.memory_space<vmem>>, vector<1x16xf32>,
        %parallel_loop3A_474 = vector.shape_cast %parallel_loop3A_473 : vector<1x16xf32> to vector<16xf32>
        %parallel_loop3A_475 = vector.shape_cast %parallel_loop3A_470 : vector<16xf32> to vector<1x16xf32>
        tpu.vector_store %arg8[%parallel_loop3A_471, %parallel_loop3A_472], %parallel_loop3A_475 {add = true, strides = array<i32>} : memref<96x768xf32, #tpu.memory_space<vmem>>, vector<1x16xf32>,
        %parallel_loop3A_476 = arith.addi %multiple_of3A_318, %parallel_loop3A_387 : i32
        %parallel_loop3A_477 = arith.addi %multiple_of3A_323, %parallel_loop3A_387 : i32
        %parallel_loop3A_478 = arith.index_cast %parallel_loop3A_477 : i32 to index
        %parallel_loop3A_479 = arith.constant 128 : index
        %parallel_loop3A_480 = tpu.vector_load %arg7[%parallel_loop3A_478, %parallel_loop3A_479] {strides = array<i32>} : memref<64x768xf32, #tpu.memory_space<vmem>>, vector<1x16xf32>,
        %parallel_loop3A_481 = vector.shape_cast %parallel_loop3A_480 : vector<1x16xf32> to vector<16xf32>
        %parallel_loop3A_482 = arith.index_cast %parallel_loop3A_476 : i32 to index
        %parallel_loop3A_483 = arith.constant 128 : index
        %parallel_loop3A_484 = tpu.vector_load %arg8[%parallel_loop3A_482, %parallel_loop3A_483] {strides = array<i32>} : memref<96x768xf32, #tpu.memory_space<vmem>>, vector<1x16xf32>,
        %parallel_loop3A_485 = vector.shape_cast %parallel_loop3A_484 : vector<1x16xf32> to vector<16xf32>
        %parallel_loop3A_486 = vector.shape_cast %parallel_loop3A_481 : vector<16xf32> to vector<1x16xf32>
        tpu.vector_store %arg8[%parallel_loop3A_482, %parallel_loop3A_483], %parallel_loop3A_486 {add = true, strides = array<i32>} : memref<96x768xf32, #tpu.memory_space<vmem>>, vector<1x16xf32>,
        %parallel_loop3A_487 = arith.addi %multiple_of3A_318, %parallel_loop3A_387 : i32
        %parallel_loop3A_488 = arith.addi %multiple_of3A_323, %parallel_loop3A_387 : i32
        %parallel_loop3A_489 = arith.index_cast %parallel_loop3A_488 : i32 to index
        %parallel_loop3A_490 = arith.constant 144 : index
        %parallel_loop3A_491 = tpu.vector_load %arg7[%parallel_loop3A_489, %parallel_loop3A_490] {strides = array<i32>} : memref<64x768xf32, #tpu.memory_space<vmem>>, vector<1x16xf32>,
        %parallel_loop3A_492 = vector.shape_cast %parallel_loop3A_491 : vector<1x16xf32> to vector<16xf32>
        %parallel_loop3A_493 = arith.index_cast %parallel_loop3A_487 : i32 to index
        %parallel_loop3A_494 = arith.constant 144 : index
        %parallel_loop3A_495 = tpu.vector_load %arg8[%parallel_loop3A_493, %parallel_loop3A_494] {strides = array<i32>} : memref<96x768xf32, #tpu.memory_space<vmem>>, vector<1x16xf32>,
        %parallel_loop3A_496 = vector.shape_cast %parallel_loop3A_495 : vector<1x16xf32> to vector<16xf32>
        %parallel_loop3A_497 = vector.shape_cast %parallel_loop3A_492 : vector<16xf32> to vector<1x16xf32>
        tpu.vector_store %arg8[%parallel_loop3A_493, %parallel_loop3A_494], %parallel_loop3A_497 {add = true, strides = array<i32>} : memref<96x768xf32, #tpu.memory_space<vmem>>, vector<1x16xf32>,
        %parallel_loop3A_498 = arith.addi %multiple_of3A_318, %parallel_loop3A_387 : i32
        %parallel_loop3A_499 = arith.addi %multiple_of3A_323, %parallel_loop3A_387 : i32
        %parallel_loop3A_500 = arith.index_cast %parallel_loop3A_499 : i32 to index
        %parallel_loop3A_501 = arith.constant 160 : index
        %parallel_loop3A_502 = tpu.vector_load %arg7[%parallel_loop3A_500, %parallel_loop3A_501] {strides = array<i32>} : memref<64x768xf32, #tpu.memory_space<vmem>>, vector<1x16xf32>,
        %parallel_loop3A_503 = vector.shape_cast %parallel_loop3A_502 : vector<1x16xf32> to vector<16xf32>
        %parallel_loop3A_504 = arith.index_cast %parallel_loop3A_498 : i32 to index
        %parallel_loop3A_505 = arith.constant 160 : index
        %parallel_loop3A_506 = tpu.vector_load %arg8[%parallel_loop3A_504, %parallel_loop3A_505] {strides = array<i32>} : memref<96x768xf32, #tpu.memory_space<vmem>>, vector<1x16xf32>,
        %parallel_loop3A_507 = vector.shape_cast %parallel_loop3A_506 : vector<1x16xf32> to vector<16xf32>
        %parallel_loop3A_508 = vector.shape_cast %parallel_loop3A_503 : vector<16xf32> to vector<1x16xf32>
        tpu.vector_store %arg8[%parallel_loop3A_504, %parallel_loop3A_505], %parallel_loop3A_508 {add = true, strides = array<i32>} : memref<96x768xf32, #tpu.memory_space<vmem>>, vector<1x16xf32>,
        %parallel_loop3A_509 = arith.addi %multiple_of3A_318, %parallel_loop3A_387 : i32
        %parallel_loop3A_510 = arith.addi %multiple_of3A_323, %parallel_loop3A_387 : i32
        %parallel_loop3A_511 = arith.index_cast %parallel_loop3A_510 : i32 to index
        %parallel_loop3A_512 = arith.constant 176 : index
        %parallel_loop3A_513 = tpu.vector_load %arg7[%parallel_loop3A_511, %parallel_loop3A_512] {strides = array<i32>} : memref<64x768xf32, #tpu.memory_space<vmem>>, vector<1x16xf32>,
        %parallel_loop3A_514 = vector.shape_cast %parallel_loop3A_513 : vector<1x16xf32> to vector<16xf32>
        %parallel_loop3A_515 = arith.index_cast %parallel_loop3A_509 : i32 to index
        %parallel_loop3A_516 = arith.constant 176 : index
        %parallel_loop3A_517 = tpu.vector_load %arg8[%parallel_loop3A_515, %parallel_loop3A_516] {strides = array<i32>} : memref<96x768xf32, #tpu.memory_space<vmem>>, vector<1x16xf32>,
        %parallel_loop3A_518 = vector.shape_cast %parallel_loop3A_517 : vector<1x16xf32> to vector<16xf32>
        %parallel_loop3A_519 = vector.shape_cast %parallel_loop3A_514 : vector<16xf32> to vector<1x16xf32>
        tpu.vector_store %arg8[%parallel_loop3A_515, %parallel_loop3A_516], %parallel_loop3A_519 {add = true, strides = array<i32>} : memref<96x768xf32, #tpu.memory_space<vmem>>, vector<1x16xf32>,
        %parallel_loop3A_520 = arith.addi %multiple_of3A_318, %parallel_loop3A_387 : i32
        %parallel_loop3A_521 = arith.addi %multiple_of3A_323, %parallel_loop3A_387 : i32
        %parallel_loop3A_522 = arith.index_cast %parallel_loop3A_521 : i32 to index
        %parallel_loop3A_523 = arith.constant 192 : index
        %parallel_loop3A_524 = tpu.vector_load %arg7[%parallel_loop3A_522, %parallel_loop3A_523] {strides = array<i32>} : memref<64x768xf32, #tpu.memory_space<vmem>>, vector<1x16xf32>,
        %parallel_loop3A_525 = vector.shape_cast %parallel_loop3A_524 : vector<1x16xf32> to vector<16xf32>
        %parallel_loop3A_526 = arith.index_cast %parallel_loop3A_520 : i32 to index
        %parallel_loop3A_527 = arith.constant 192 : index
        %parallel_loop3A_528 = tpu.vector_load %arg8[%parallel_loop3A_526, %parallel_loop3A_527] {strides = array<i32>} : memref<96x768xf32, #tpu.memory_space<vmem>>, vector<1x16xf32>,
        %parallel_loop3A_529 = vector.shape_cast %parallel_loop3A_528 : vector<1x16xf32> to vector<16xf32>
        %parallel_loop3A_530 = vector.shape_cast %parallel_loop3A_525 : vector<16xf32> to vector<1x16xf32>
        tpu.vector_store %arg8[%parallel_loop3A_526, %parallel_loop3A_527], %parallel_loop3A_530 {add = true, strides = array<i32>} : memref<96x768xf32, #tpu.memory_space<vmem>>, vector<1x16xf32>,
        %parallel_loop3A_531 = arith.addi %multiple_of3A_318, %parallel_loop3A_387 : i32
        %parallel_loop3A_532 = arith.addi %multiple_of3A_323, %parallel_loop3A_387 : i32
        %parallel_loop3A_533 = arith.index_cast %parallel_loop3A_532 : i32 to index
        %parallel_loop3A_534 = arith.constant 208 : index
        %parallel_loop3A_535 = tpu.vector_load %arg7[%parallel_loop3A_533, %parallel_loop3A_534] {strides = array<i32>} : memref<64x768xf32, #tpu.memory_space<vmem>>, vector<1x16xf32>,
        %parallel_loop3A_536 = vector.shape_cast %parallel_loop3A_535 : vector<1x16xf32> to vector<16xf32>
        %parallel_loop3A_537 = arith.index_cast %parallel_loop3A_531 : i32 to index
        %parallel_loop3A_538 = arith.constant 208 : index
        %parallel_loop3A_539 = tpu.vector_load %arg8[%parallel_loop3A_537, %parallel_loop3A_538] {strides = array<i32>} : memref<96x768xf32, #tpu.memory_space<vmem>>, vector<1x16xf32>,
        %parallel_loop3A_540 = vector.shape_cast %parallel_loop3A_539 : vector<1x16xf32> to vector<16xf32>
        %parallel_loop3A_541 = vector.shape_cast %parallel_loop3A_536 : vector<16xf32> to vector<1x16xf32>
        tpu.vector_store %arg8[%parallel_loop3A_537, %parallel_loop3A_538], %parallel_loop3A_541 {add = true, strides = array<i32>} : memref<96x768xf32, #tpu.memory_space<vmem>>, vector<1x16xf32>,
        %parallel_loop3A_542 = arith.addi %multiple_of3A_318, %parallel_loop3A_387 : i32
        %parallel_loop3A_543 = arith.addi %multiple_of3A_323, %parallel_loop3A_387 : i32
        %parallel_loop3A_544 = arith.index_cast %parallel_loop3A_543 : i32 to index
        %parallel_loop3A_545 = arith.constant 224 : index
        %parallel_loop3A_546 = tpu.vector_load %arg7[%parallel_loop3A_544, %parallel_loop3A_545] {strides = array<i32>} : memref<64x768xf32, #tpu.memory_space<vmem>>, vector<1x16xf32>,
        %parallel_loop3A_547 = vector.shape_cast %parallel_loop3A_546 : vector<1x16xf32> to vector<16xf32>
        %parallel_loop3A_548 = arith.index_cast %parallel_loop3A_542 : i32 to index
        %parallel_loop3A_549 = arith.constant 224 : index
        %parallel_loop3A_550 = tpu.vector_load %arg8[%parallel_loop3A_548, %parallel_loop3A_549] {strides = array<i32>} : memref<96x768xf32, #tpu.memory_space<vmem>>, vector<1x16xf32>,
        %parallel_loop3A_551 = vector.shape_cast %parallel_loop3A_550 : vector<1x16xf32> to vector<16xf32>
        %parallel_loop3A_552 = vector.shape_cast %parallel_loop3A_547 : vector<16xf32> to vector<1x16xf32>
        tpu.vector_store %arg8[%parallel_loop3A_548, %parallel_loop3A_549], %parallel_loop3A_552 {add = true, strides = array<i32>} : memref<96x768xf32, #tpu.memory_space<vmem>>, vector<1x16xf32>,
        %parallel_loop3A_553 = arith.addi %multiple_of3A_318, %parallel_loop3A_387 : i32
        %parallel_loop3A_554 = arith.addi %multiple_of3A_323, %parallel_loop3A_387 : i32
        %parallel_loop3A_555 = arith.index_cast %parallel_loop3A_554 : i32 to index
        %parallel_loop3A_556 = arith.constant 240 : index
        %parallel_loop3A_557 = tpu.vector_load %arg7[%parallel_loop3A_555, %parallel_loop3A_556] {strides = array<i32>} : memref<64x768xf32, #tpu.memory_space<vmem>>, vector<1x16xf32>,
        %parallel_loop3A_558 = vector.shape_cast %parallel_loop3A_557 : vector<1x16xf32> to vector<16xf32>
        %parallel_loop3A_559 = arith.index_cast %parallel_loop3A_553 : i32 to index
        %parallel_loop3A_560 = arith.constant 240 : index
        %parallel_loop3A_561 = tpu.vector_load %arg8[%parallel_loop3A_559, %parallel_loop3A_560] {strides = array<i32>} : memref<96x768xf32, #tpu.memory_space<vmem>>, vector<1x16xf32>,
        %parallel_loop3A_562 = vector.shape_cast %parallel_loop3A_561 : vector<1x16xf32> to vector<16xf32>
        %parallel_loop3A_563 = vector.shape_cast %parallel_loop3A_558 : vector<16xf32> to vector<1x16xf32>
        tpu.vector_store %arg8[%parallel_loop3A_559, %parallel_loop3A_560], %parallel_loop3A_563 {add = true, strides = array<i32>} : memref<96x768xf32, #tpu.memory_space<vmem>>, vector<1x16xf32>,
        %parallel_loop3A_564 = arith.addi %multiple_of3A_318, %parallel_loop3A_387 : i32
        %parallel_loop3A_565 = arith.addi %multiple_of3A_323, %parallel_loop3A_387 : i32
        %parallel_loop3A_566 = arith.index_cast %parallel_loop3A_565 : i32 to index
        %parallel_loop3A_567 = arith.constant 256 : index
        %parallel_loop3A_568 = tpu.vector_load %arg7[%parallel_loop3A_566, %parallel_loop3A_567] {strides = array<i32>} : memref<64x768xf32, #tpu.memory_space<vmem>>, vector<1x16xf32>,
        %parallel_loop3A_569 = vector.shape_cast %parallel_loop3A_568 : vector<1x16xf32> to vector<16xf32>
        %parallel_loop3A_570 = arith.index_cast %parallel_loop3A_564 : i32 to index
        %parallel_loop3A_571 = arith.constant 256 : index
        %parallel_loop3A_572 = tpu.vector_load %arg8[%parallel_loop3A_570, %parallel_loop3A_571] {strides = array<i32>} : memref<96x768xf32, #tpu.memory_space<vmem>>, vector<1x16xf32>,
        %parallel_loop3A_573 = vector.shape_cast %parallel_loop3A_572 : vector<1x16xf32> to vector<16xf32>
        %parallel_loop3A_574 = vector.shape_cast %parallel_loop3A_569 : vector<16xf32> to vector<1x16xf32>
        tpu.vector_store %arg8[%parallel_loop3A_570, %parallel_loop3A_571], %parallel_loop3A_574 {add = true, strides = array<i32>} : memref<96x768xf32, #tpu.memory_space<vmem>>, vector<1x16xf32>,
        %parallel_loop3A_575 = arith.addi %multiple_of3A_318, %parallel_loop3A_387 : i32
        %parallel_loop3A_576 = arith.addi %multiple_of3A_323, %parallel_loop3A_387 : i32
        %parallel_loop3A_577 = arith.index_cast %parallel_loop3A_576 : i32 to index
        %parallel_loop3A_578 = arith.constant 272 : index
        %parallel_loop3A_579 = tpu.vector_load %arg7[%parallel_loop3A_577, %parallel_loop3A_578] {strides = array<i32>} : memref<64x768xf32, #tpu.memory_space<vmem>>, vector<1x16xf32>,
        %parallel_loop3A_580 = vector.shape_cast %parallel_loop3A_579 : vector<1x16xf32> to vector<16xf32>
        %parallel_loop3A_581 = arith.index_cast %parallel_loop3A_575 : i32 to index
        %parallel_loop3A_582 = arith.constant 272 : index
        %parallel_loop3A_583 = tpu.vector_load %arg8[%parallel_loop3A_581, %parallel_loop3A_582] {strides = array<i32>} : memref<96x768xf32, #tpu.memory_space<vmem>>, vector<1x16xf32>,
        %parallel_loop3A_584 = vector.shape_cast %parallel_loop3A_583 : vector<1x16xf32> to vector<16xf32>
        %parallel_loop3A_585 = vector.shape_cast %parallel_loop3A_580 : vector<16xf32> to vector<1x16xf32>
        tpu.vector_store %arg8[%parallel_loop3A_581, %parallel_loop3A_582], %parallel_loop3A_585 {add = true, strides = array<i32>} : memref<96x768xf32, #tpu.memory_space<vmem>>, vector<1x16xf32>,
        %parallel_loop3A_586 = arith.addi %multiple_of3A_318, %parallel_loop3A_387 : i32
        %parallel_loop3A_587 = arith.addi %multiple_of3A_323, %parallel_loop3A_387 : i32
        %parallel_loop3A_588 = arith.index_cast %parallel_loop3A_587 : i32 to index
        %parallel_loop3A_589 = arith.constant 288 : index
        %parallel_loop3A_590 = tpu.vector_load %arg7[%parallel_loop3A_588, %parallel_loop3A_589] {strides = array<i32>} : memref<64x768xf32, #tpu.memory_space<vmem>>, vector<1x16xf32>,
        %parallel_loop3A_591 = vector.shape_cast %parallel_loop3A_590 : vector<1x16xf32> to vector<16xf32>
        %parallel_loop3A_592 = arith.index_cast %parallel_loop3A_586 : i32 to index
        %parallel_loop3A_593 = arith.constant 288 : index
        %parallel_loop3A_594 = tpu.vector_load %arg8[%parallel_loop3A_592, %parallel_loop3A_593] {strides = array<i32>} : memref<96x768xf32, #tpu.memory_space<vmem>>, vector<1x16xf32>,
        %parallel_loop3A_595 = vector.shape_cast %parallel_loop3A_594 : vector<1x16xf32> to vector<16xf32>
        %parallel_loop3A_596 = vector.shape_cast %parallel_loop3A_591 : vector<16xf32> to vector<1x16xf32>
        tpu.vector_store %arg8[%parallel_loop3A_592, %parallel_loop3A_593], %parallel_loop3A_596 {add = true, strides = array<i32>} : memref<96x768xf32, #tpu.memory_space<vmem>>, vector<1x16xf32>,
        %parallel_loop3A_597 = arith.addi %multiple_of3A_318, %parallel_loop3A_387 : i32
        %parallel_loop3A_598 = arith.addi %multiple_of3A_323, %parallel_loop3A_387 : i32
        %parallel_loop3A_599 = arith.index_cast %parallel_loop3A_598 : i32 to index
        %parallel_loop3A_600 = arith.constant 304 : index
        %parallel_loop3A_601 = tpu.vector_load %arg7[%parallel_loop3A_599, %parallel_loop3A_600] {strides = array<i32>} : memref<64x768xf32, #tpu.memory_space<vmem>>, vector<1x16xf32>,
        %parallel_loop3A_602 = vector.shape_cast %parallel_loop3A_601 : vector<1x16xf32> to vector<16xf32>
        %parallel_loop3A_603 = arith.index_cast %parallel_loop3A_597 : i32 to index
        %parallel_loop3A_604 = arith.constant 304 : index
        %parallel_loop3A_605 = tpu.vector_load %arg8[%parallel_loop3A_603, %parallel_loop3A_604] {strides = array<i32>} : memref<96x768xf32, #tpu.memory_space<vmem>>, vector<1x16xf32>,
        %parallel_loop3A_606 = vector.shape_cast %parallel_loop3A_605 : vector<1x16xf32> to vector<16xf32>
        %parallel_loop3A_607 = vector.shape_cast %parallel_loop3A_602 : vector<16xf32> to vector<1x16xf32>
        tpu.vector_store %arg8[%parallel_loop3A_603, %parallel_loop3A_604], %parallel_loop3A_607 {add = true, strides = array<i32>} : memref<96x768xf32, #tpu.memory_space<vmem>>, vector<1x16xf32>,
        %parallel_loop3A_608 = arith.addi %multiple_of3A_318, %parallel_loop3A_387 : i32
        %parallel_loop3A_609 = arith.addi %multiple_of3A_323, %parallel_loop3A_387 : i32
        %parallel_loop3A_610 = arith.index_cast %parallel_loop3A_609 : i32 to index
        %parallel_loop3A_611 = arith.constant 320 : index
        %parallel_loop3A_612 = tpu.vector_load %arg7[%parallel_loop3A_610, %parallel_loop3A_611] {strides = array<i32>} : memref<64x768xf32, #tpu.memory_space<vmem>>, vector<1x16xf32>,
        %parallel_loop3A_613 = vector.shape_cast %parallel_loop3A_612 : vector<1x16xf32> to vector<16xf32>
        %parallel_loop3A_614 = arith.index_cast %parallel_loop3A_608 : i32 to index
        %parallel_loop3A_615 = arith.constant 320 : index
        %parallel_loop3A_616 = tpu.vector_load %arg8[%parallel_loop3A_614, %parallel_loop3A_615] {strides = array<i32>} : memref<96x768xf32, #tpu.memory_space<vmem>>, vector<1x16xf32>,
        %parallel_loop3A_617 = vector.shape_cast %parallel_loop3A_616 : vector<1x16xf32> to vector<16xf32>
        %parallel_loop3A_618 = vector.shape_cast %parallel_loop3A_613 : vector<16xf32> to vector<1x16xf32>
        tpu.vector_store %arg8[%parallel_loop3A_614, %parallel_loop3A_615], %parallel_loop3A_618 {add = true, strides = array<i32>} : memref<96x768xf32, #tpu.memory_space<vmem>>, vector<1x16xf32>,
        %parallel_loop3A_619 = arith.addi %multiple_of3A_318, %parallel_loop3A_387 : i32
        %parallel_loop3A_620 = arith.addi %multiple_of3A_323, %parallel_loop3A_387 : i32
        %parallel_loop3A_621 = arith.index_cast %parallel_loop3A_620 : i32 to index
        %parallel_loop3A_622 = arith.constant 336 : index
        %parallel_loop3A_623 = tpu.vector_load %arg7[%parallel_loop3A_621, %parallel_loop3A_622] {strides = array<i32>} : memref<64x768xf32, #tpu.memory_space<vmem>>, vector<1x16xf32>,
        %parallel_loop3A_624 = vector.shape_cast %parallel_loop3A_623 : vector<1x16xf32> to vector<16xf32>
        %parallel_loop3A_625 = arith.index_cast %parallel_loop3A_619 : i32 to index
        %parallel_loop3A_626 = arith.constant 336 : index
        %parallel_loop3A_627 = tpu.vector_load %arg8[%parallel_loop3A_625, %parallel_loop3A_626] {strides = array<i32>} : memref<96x768xf32, #tpu.memory_space<vmem>>, vector<1x16xf32>,
        %parallel_loop3A_628 = vector.shape_cast %parallel_loop3A_627 : vector<1x16xf32> to vector<16xf32>
        %parallel_loop3A_629 = vector.shape_cast %parallel_loop3A_624 : vector<16xf32> to vector<1x16xf32>
        tpu.vector_store %arg8[%parallel_loop3A_625, %parallel_loop3A_626], %parallel_loop3A_629 {add = true, strides = array<i32>} : memref<96x768xf32, #tpu.memory_space<vmem>>, vector<1x16xf32>,
        %parallel_loop3A_630 = arith.addi %multiple_of3A_318, %parallel_loop3A_387 : i32
        %parallel_loop3A_631 = arith.addi %multiple_of3A_323, %parallel_loop3A_387 : i32
        %parallel_loop3A_632 = arith.index_cast %parallel_loop3A_631 : i32 to index
        %parallel_loop3A_633 = arith.constant 352 : index
        %parallel_loop3A_634 = tpu.vector_load %arg7[%parallel_loop3A_632, %parallel_loop3A_633] {strides = array<i32>} : memref<64x768xf32, #tpu.memory_space<vmem>>, vector<1x16xf32>,
        %parallel_loop3A_635 = vector.shape_cast %parallel_loop3A_634 : vector<1x16xf32> to vector<16xf32>
        %parallel_loop3A_636 = arith.index_cast %parallel_loop3A_630 : i32 to index
        %parallel_loop3A_637 = arith.constant 352 : index
        %parallel_loop3A_638 = tpu.vector_load %arg8[%parallel_loop3A_636, %parallel_loop3A_637] {strides = array<i32>} : memref<96x768xf32, #tpu.memory_space<vmem>>, vector<1x16xf32>,
        %parallel_loop3A_639 = vector.shape_cast %parallel_loop3A_638 : vector<1x16xf32> to vector<16xf32>
        %parallel_loop3A_640 = vector.shape_cast %parallel_loop3A_635 : vector<16xf32> to vector<1x16xf32>
        tpu.vector_store %arg8[%parallel_loop3A_636, %parallel_loop3A_637], %parallel_loop3A_640 {add = true, strides = array<i32>} : memref<96x768xf32, #tpu.memory_space<vmem>>, vector<1x16xf32>,
        %parallel_loop3A_641 = arith.addi %multiple_of3A_318, %parallel_loop3A_387 : i32
        %parallel_loop3A_642 = arith.addi %multiple_of3A_323, %parallel_loop3A_387 : i32
        %parallel_loop3A_643 = arith.index_cast %parallel_loop3A_642 : i32 to index
        %parallel_loop3A_644 = arith.constant 368 : index
        %parallel_loop3A_645 = tpu.vector_load %arg7[%parallel_loop3A_643, %parallel_loop3A_644] {strides = array<i32>} : memref<64x768xf32, #tpu.memory_space<vmem>>, vector<1x16xf32>,
        %parallel_loop3A_646 = vector.shape_cast %parallel_loop3A_645 : vector<1x16xf32> to vector<16xf32>
        %parallel_loop3A_647 = arith.index_cast %parallel_loop3A_641 : i32 to index
        %parallel_loop3A_648 = arith.constant 368 : index
        %parallel_loop3A_649 = tpu.vector_load %arg8[%parallel_loop3A_647, %parallel_loop3A_648] {strides = array<i32>} : memref<96x768xf32, #tpu.memory_space<vmem>>, vector<1x16xf32>,
        %parallel_loop3A_650 = vector.shape_cast %parallel_loop3A_649 : vector<1x16xf32> to vector<16xf32>
        %parallel_loop3A_651 = vector.shape_cast %parallel_loop3A_646 : vector<16xf32> to vector<1x16xf32>
        tpu.vector_store %arg8[%parallel_loop3A_647, %parallel_loop3A_648], %parallel_loop3A_651 {add = true, strides = array<i32>} : memref<96x768xf32, #tpu.memory_space<vmem>>, vector<1x16xf32>,
        %parallel_loop3A_652 = arith.addi %multiple_of3A_318, %parallel_loop3A_387 : i32
        %parallel_loop3A_653 = arith.addi %multiple_of3A_323, %parallel_loop3A_387 : i32
        %parallel_loop3A_654 = arith.index_cast %parallel_loop3A_653 : i32 to index
        %parallel_loop3A_655 = arith.constant 384 : index
        %parallel_loop3A_656 = tpu.vector_load %arg7[%parallel_loop3A_654, %parallel_loop3A_655] {strides = array<i32>} : memref<64x768xf32, #tpu.memory_space<vmem>>, vector<1x16xf32>,
        %parallel_loop3A_657 = vector.shape_cast %parallel_loop3A_656 : vector<1x16xf32> to vector<16xf32>
        %parallel_loop3A_658 = arith.index_cast %parallel_loop3A_652 : i32 to index
        %parallel_loop3A_659 = arith.constant 384 : index
        %parallel_loop3A_660 = tpu.vector_load %arg8[%parallel_loop3A_658, %parallel_loop3A_659] {strides = array<i32>} : memref<96x768xf32, #tpu.memory_space<vmem>>, vector<1x16xf32>,
        %parallel_loop3A_661 = vector.shape_cast %parallel_loop3A_660 : vector<1x16xf32> to vector<16xf32>
        %parallel_loop3A_662 = vector.shape_cast %parallel_loop3A_657 : vector<16xf32> to vector<1x16xf32>
        tpu.vector_store %arg8[%parallel_loop3A_658, %parallel_loop3A_659], %parallel_loop3A_662 {add = true, strides = array<i32>} : memref<96x768xf32, #tpu.memory_space<vmem>>, vector<1x16xf32>,
        %parallel_loop3A_663 = arith.addi %multiple_of3A_318, %parallel_loop3A_387 : i32
        %parallel_loop3A_664 = arith.addi %multiple_of3A_323, %parallel_loop3A_387 : i32
        %parallel_loop3A_665 = arith.index_cast %parallel_loop3A_664 : i32 to index
        %parallel_loop3A_666 = arith.constant 400 : index
        %parallel_loop3A_667 = tpu.vector_load %arg7[%parallel_loop3A_665, %parallel_loop3A_666] {strides = array<i32>} : memref<64x768xf32, #tpu.memory_space<vmem>>, vector<1x16xf32>,
        %parallel_loop3A_668 = vector.shape_cast %parallel_loop3A_667 : vector<1x16xf32> to vector<16xf32>
        %parallel_loop3A_669 = arith.index_cast %parallel_loop3A_663 : i32 to index
        %parallel_loop3A_670 = arith.constant 400 : index
        %parallel_loop3A_671 = tpu.vector_load %arg8[%parallel_loop3A_669, %parallel_loop3A_670] {strides = array<i32>} : memref<96x768xf32, #tpu.memory_space<vmem>>, vector<1x16xf32>,
        %parallel_loop3A_672 = vector.shape_cast %parallel_loop3A_671 : vector<1x16xf32> to vector<16xf32>
        %parallel_loop3A_673 = vector.shape_cast %parallel_loop3A_668 : vector<16xf32> to vector<1x16xf32>
        tpu.vector_store %arg8[%parallel_loop3A_669, %parallel_loop3A_670], %parallel_loop3A_673 {add = true, strides = array<i32>} : memref<96x768xf32, #tpu.memory_space<vmem>>, vector<1x16xf32>,
        %parallel_loop3A_674 = arith.addi %multiple_of3A_318, %parallel_loop3A_387 : i32
        %parallel_loop3A_675 = arith.addi %multiple_of3A_323, %parallel_loop3A_387 : i32
        %parallel_loop3A_676 = arith.index_cast %parallel_loop3A_675 : i32 to index
        %parallel_loop3A_677 = arith.constant 416 : index
        %parallel_loop3A_678 = tpu.vector_load %arg7[%parallel_loop3A_676, %parallel_loop3A_677] {strides = array<i32>} : memref<64x768xf32, #tpu.memory_space<vmem>>, vector<1x16xf32>,
        %parallel_loop3A_679 = vector.shape_cast %parallel_loop3A_678 : vector<1x16xf32> to vector<16xf32>
        %parallel_loop3A_680 = arith.index_cast %parallel_loop3A_674 : i32 to index
        %parallel_loop3A_681 = arith.constant 416 : index
        %parallel_loop3A_682 = tpu.vector_load %arg8[%parallel_loop3A_680, %parallel_loop3A_681] {strides = array<i32>} : memref<96x768xf32, #tpu.memory_space<vmem>>, vector<1x16xf32>,
        %parallel_loop3A_683 = vector.shape_cast %parallel_loop3A_682 : vector<1x16xf32> to vector<16xf32>
        %parallel_loop3A_684 = vector.shape_cast %parallel_loop3A_679 : vector<16xf32> to vector<1x16xf32>
        tpu.vector_store %arg8[%parallel_loop3A_680, %parallel_loop3A_681], %parallel_loop3A_684 {add = true, strides = array<i32>} : memref<96x768xf32, #tpu.memory_space<vmem>>, vector<1x16xf32>,
        %parallel_loop3A_685 = arith.addi %multiple_of3A_318, %parallel_loop3A_387 : i32
        %parallel_loop3A_686 = arith.addi %multiple_of3A_323, %parallel_loop3A_387 : i32
        %parallel_loop3A_687 = arith.index_cast %parallel_loop3A_686 : i32 to index
        %parallel_loop3A_688 = arith.constant 432 : index
        %parallel_loop3A_689 = tpu.vector_load %arg7[%parallel_loop3A_687, %parallel_loop3A_688] {strides = array<i32>} : memref<64x768xf32, #tpu.memory_space<vmem>>, vector<1x16xf32>,
        %parallel_loop3A_690 = vector.shape_cast %parallel_loop3A_689 : vector<1x16xf32> to vector<16xf32>
        %parallel_loop3A_691 = arith.index_cast %parallel_loop3A_685 : i32 to index
        %parallel_loop3A_692 = arith.constant 432 : index
        %parallel_loop3A_693 = tpu.vector_load %arg8[%parallel_loop3A_691, %parallel_loop3A_692] {strides = array<i32>} : memref<96x768xf32, #tpu.memory_space<vmem>>, vector<1x16xf32>,
        %parallel_loop3A_694 = vector.shape_cast %parallel_loop3A_693 : vector<1x16xf32> to vector<16xf32>
        %parallel_loop3A_695 = vector.shape_cast %parallel_loop3A_690 : vector<16xf32> to vector<1x16xf32>
        tpu.vector_store %arg8[%parallel_loop3A_691, %parallel_loop3A_692], %parallel_loop3A_695 {add = true, strides = array<i32>} : memref<96x768xf32, #tpu.memory_space<vmem>>, vector<1x16xf32>,
        %parallel_loop3A_696 = arith.addi %multiple_of3A_318, %parallel_loop3A_387 : i32
        %parallel_loop3A_697 = arith.addi %multiple_of3A_323, %parallel_loop3A_387 : i32
        %parallel_loop3A_698 = arith.index_cast %parallel_loop3A_697 : i32 to index
        %parallel_loop3A_699 = arith.constant 448 : index
        %parallel_loop3A_700 = tpu.vector_load %arg7[%parallel_loop3A_698, %parallel_loop3A_699] {strides = array<i32>} : memref<64x768xf32, #tpu.memory_space<vmem>>, vector<1x16xf32>,
        %parallel_loop3A_701 = vector.shape_cast %parallel_loop3A_700 : vector<1x16xf32> to vector<16xf32>
        %parallel_loop3A_702 = arith.index_cast %parallel_loop3A_696 : i32 to index
        %parallel_loop3A_703 = arith.constant 448 : index
        %parallel_loop3A_704 = tpu.vector_load %arg8[%parallel_loop3A_702, %parallel_loop3A_703] {strides = array<i32>} : memref<96x768xf32, #tpu.memory_space<vmem>>, vector<1x16xf32>,
        %parallel_loop3A_705 = vector.shape_cast %parallel_loop3A_704 : vector<1x16xf32> to vector<16xf32>
        %parallel_loop3A_706 = vector.shape_cast %parallel_loop3A_701 : vector<16xf32> to vector<1x16xf32>
        tpu.vector_store %arg8[%parallel_loop3A_702, %parallel_loop3A_703], %parallel_loop3A_706 {add = true, strides = array<i32>} : memref<96x768xf32, #tpu.memory_space<vmem>>, vector<1x16xf32>,
        %parallel_loop3A_707 = arith.addi %multiple_of3A_318, %parallel_loop3A_387 : i32
        %parallel_loop3A_708 = arith.addi %multiple_of3A_323, %parallel_loop3A_387 : i32
        %parallel_loop3A_709 = arith.index_cast %parallel_loop3A_708 : i32 to index
        %parallel_loop3A_710 = arith.constant 464 : index
        %parallel_loop3A_711 = tpu.vector_load %arg7[%parallel_loop3A_709, %parallel_loop3A_710] {strides = array<i32>} : memref<64x768xf32, #tpu.memory_space<vmem>>, vector<1x16xf32>,
        %parallel_loop3A_712 = vector.shape_cast %parallel_loop3A_711 : vector<1x16xf32> to vector<16xf32>
        %parallel_loop3A_713 = arith.index_cast %parallel_loop3A_707 : i32 to index
        %parallel_loop3A_714 = arith.constant 464 : index
        %parallel_loop3A_715 = tpu.vector_load %arg8[%parallel_loop3A_713, %parallel_loop3A_714] {strides = array<i32>} : memref<96x768xf32, #tpu.memory_space<vmem>>, vector<1x16xf32>,
        %parallel_loop3A_716 = vector.shape_cast %parallel_loop3A_715 : vector<1x16xf32> to vector<16xf32>
        %parallel_loop3A_717 = vector.shape_cast %parallel_loop3A_712 : vector<16xf32> to vector<1x16xf32>
        tpu.vector_store %arg8[%parallel_loop3A_713, %parallel_loop3A_714], %parallel_loop3A_717 {add = true, strides = array<i32>} : memref<96x768xf32, #tpu.memory_space<vmem>>, vector<1x16xf32>,
        %parallel_loop3A_718 = arith.addi %multiple_of3A_318, %parallel_loop3A_387 : i32
        %parallel_loop3A_719 = arith.addi %multiple_of3A_323, %parallel_loop3A_387 : i32
        %parallel_loop3A_720 = arith.index_cast %parallel_loop3A_719 : i32 to index
        %parallel_loop3A_721 = arith.constant 480 : index
        %parallel_loop3A_722 = tpu.vector_load %arg7[%parallel_loop3A_720, %parallel_loop3A_721] {strides = array<i32>} : memref<64x768xf32, #tpu.memory_space<vmem>>, vector<1x16xf32>,
        %parallel_loop3A_723 = vector.shape_cast %parallel_loop3A_722 : vector<1x16xf32> to vector<16xf32>
        %parallel_loop3A_724 = arith.index_cast %parallel_loop3A_718 : i32 to index
        %parallel_loop3A_725 = arith.constant 480 : index
        %parallel_loop3A_726 = tpu.vector_load %arg8[%parallel_loop3A_724, %parallel_loop3A_725] {strides = array<i32>} : memref<96x768xf32, #tpu.memory_space<vmem>>, vector<1x16xf32>,
        %parallel_loop3A_727 = vector.shape_cast %parallel_loop3A_726 : vector<1x16xf32> to vector<16xf32>
        %parallel_loop3A_728 = vector.shape_cast %parallel_loop3A_723 : vector<16xf32> to vector<1x16xf32>
        tpu.vector_store %arg8[%parallel_loop3A_724, %parallel_loop3A_725], %parallel_loop3A_728 {add = true, strides = array<i32>} : memref<96x768xf32, #tpu.memory_space<vmem>>, vector<1x16xf32>,
        %parallel_loop3A_729 = arith.addi %multiple_of3A_318, %parallel_loop3A_387 : i32
        %parallel_loop3A_730 = arith.addi %multiple_of3A_323, %parallel_loop3A_387 : i32
        %parallel_loop3A_731 = arith.index_cast %parallel_loop3A_730 : i32 to index
        %parallel_loop3A_732 = arith.constant 496 : index
        %parallel_loop3A_733 = tpu.vector_load %arg7[%parallel_loop3A_731, %parallel_loop3A_732] {strides = array<i32>} : memref<64x768xf32, #tpu.memory_space<vmem>>, vector<1x16xf32>,
        %parallel_loop3A_734 = vector.shape_cast %parallel_loop3A_733 : vector<1x16xf32> to vector<16xf32>
        %parallel_loop3A_735 = arith.index_cast %parallel_loop3A_729 : i32 to index
        %parallel_loop3A_736 = arith.constant 496 : index
        %parallel_loop3A_737 = tpu.vector_load %arg8[%parallel_loop3A_735, %parallel_loop3A_736] {strides = array<i32>} : memref<96x768xf32, #tpu.memory_space<vmem>>, vector<1x16xf32>,
        %parallel_loop3A_738 = vector.shape_cast %parallel_loop3A_737 : vector<1x16xf32> to vector<16xf32>
        %parallel_loop3A_739 = vector.shape_cast %parallel_loop3A_734 : vector<16xf32> to vector<1x16xf32>
        tpu.vector_store %arg8[%parallel_loop3A_735, %parallel_loop3A_736], %parallel_loop3A_739 {add = true, strides = array<i32>} : memref<96x768xf32, #tpu.memory_space<vmem>>, vector<1x16xf32>,
        %parallel_loop3A_740 = arith.addi %multiple_of3A_318, %parallel_loop3A_387 : i32
        %parallel_loop3A_741 = arith.addi %multiple_of3A_323, %parallel_loop3A_387 : i32
        %parallel_loop3A_742 = arith.index_cast %parallel_loop3A_741 : i32 to index
        %parallel_loop3A_743 = arith.constant 512 : index
        %parallel_loop3A_744 = tpu.vector_load %arg7[%parallel_loop3A_742, %parallel_loop3A_743] {strides = array<i32>} : memref<64x768xf32, #tpu.memory_space<vmem>>, vector<1x16xf32>,
        %parallel_loop3A_745 = vector.shape_cast %parallel_loop3A_744 : vector<1x16xf32> to vector<16xf32>
        %parallel_loop3A_746 = arith.index_cast %parallel_loop3A_740 : i32 to index
        %parallel_loop3A_747 = arith.constant 512 : index
        %parallel_loop3A_748 = tpu.vector_load %arg8[%parallel_loop3A_746, %parallel_loop3A_747] {strides = array<i32>} : memref<96x768xf32, #tpu.memory_space<vmem>>, vector<1x16xf32>,
        %parallel_loop3A_749 = vector.shape_cast %parallel_loop3A_748 : vector<1x16xf32> to vector<16xf32>
        %parallel_loop3A_750 = vector.shape_cast %parallel_loop3A_745 : vector<16xf32> to vector<1x16xf32>
        tpu.vector_store %arg8[%parallel_loop3A_746, %parallel_loop3A_747], %parallel_loop3A_750 {add = true, strides = array<i32>} : memref<96x768xf32, #tpu.memory_space<vmem>>, vector<1x16xf32>,
        %parallel_loop3A_751 = arith.addi %multiple_of3A_318, %parallel_loop3A_387 : i32
        %parallel_loop3A_752 = arith.addi %multiple_of3A_323, %parallel_loop3A_387 : i32
        %parallel_loop3A_753 = arith.index_cast %parallel_loop3A_752 : i32 to index
        %parallel_loop3A_754 = arith.constant 528 : index
        %parallel_loop3A_755 = tpu.vector_load %arg7[%parallel_loop3A_753, %parallel_loop3A_754] {strides = array<i32>} : memref<64x768xf32, #tpu.memory_space<vmem>>, vector<1x16xf32>,
        %parallel_loop3A_756 = vector.shape_cast %parallel_loop3A_755 : vector<1x16xf32> to vector<16xf32>
        %parallel_loop3A_757 = arith.index_cast %parallel_loop3A_751 : i32 to index
        %parallel_loop3A_758 = arith.constant 528 : index
        %parallel_loop3A_759 = tpu.vector_load %arg8[%parallel_loop3A_757, %parallel_loop3A_758] {strides = array<i32>} : memref<96x768xf32, #tpu.memory_space<vmem>>, vector<1x16xf32>,
        %parallel_loop3A_760 = vector.shape_cast %parallel_loop3A_759 : vector<1x16xf32> to vector<16xf32>
        %parallel_loop3A_761 = vector.shape_cast %parallel_loop3A_756 : vector<16xf32> to vector<1x16xf32>
        tpu.vector_store %arg8[%parallel_loop3A_757, %parallel_loop3A_758], %parallel_loop3A_761 {add = true, strides = array<i32>} : memref<96x768xf32, #tpu.memory_space<vmem>>, vector<1x16xf32>,
        %parallel_loop3A_762 = arith.addi %multiple_of3A_318, %parallel_loop3A_387 : i32
        %parallel_loop3A_763 = arith.addi %multiple_of3A_323, %parallel_loop3A_387 : i32
        %parallel_loop3A_764 = arith.index_cast %parallel_loop3A_763 : i32 to index
        %parallel_loop3A_765 = arith.constant 544 : index
        %parallel_loop3A_766 = tpu.vector_load %arg7[%parallel_loop3A_764, %parallel_loop3A_765] {strides = array<i32>} : memref<64x768xf32, #tpu.memory_space<vmem>>, vector<1x16xf32>,
        %parallel_loop3A_767 = vector.shape_cast %parallel_loop3A_766 : vector<1x16xf32> to vector<16xf32>
        %parallel_loop3A_768 = arith.index_cast %parallel_loop3A_762 : i32 to index
        %parallel_loop3A_769 = arith.constant 544 : index
        %parallel_loop3A_770 = tpu.vector_load %arg8[%parallel_loop3A_768, %parallel_loop3A_769] {strides = array<i32>} : memref<96x768xf32, #tpu.memory_space<vmem>>, vector<1x16xf32>,
        %parallel_loop3A_771 = vector.shape_cast %parallel_loop3A_770 : vector<1x16xf32> to vector<16xf32>
        %parallel_loop3A_772 = vector.shape_cast %parallel_loop3A_767 : vector<16xf32> to vector<1x16xf32>
        tpu.vector_store %arg8[%parallel_loop3A_768, %parallel_loop3A_769], %parallel_loop3A_772 {add = true, strides = array<i32>} : memref<96x768xf32, #tpu.memory_space<vmem>>, vector<1x16xf32>,
        %parallel_loop3A_773 = arith.addi %multiple_of3A_318, %parallel_loop3A_387 : i32
        %parallel_loop3A_774 = arith.addi %multiple_of3A_323, %parallel_loop3A_387 : i32
        %parallel_loop3A_775 = arith.index_cast %parallel_loop3A_774 : i32 to index
        %parallel_loop3A_776 = arith.constant 560 : index
        %parallel_loop3A_777 = tpu.vector_load %arg7[%parallel_loop3A_775, %parallel_loop3A_776] {strides = array<i32>} : memref<64x768xf32, #tpu.memory_space<vmem>>, vector<1x16xf32>,
        %parallel_loop3A_778 = vector.shape_cast %parallel_loop3A_777 : vector<1x16xf32> to vector<16xf32>
        %parallel_loop3A_779 = arith.index_cast %parallel_loop3A_773 : i32 to index
        %parallel_loop3A_780 = arith.constant 560 : index
        %parallel_loop3A_781 = tpu.vector_load %arg8[%parallel_loop3A_779, %parallel_loop3A_780] {strides = array<i32>} : memref<96x768xf32, #tpu.memory_space<vmem>>, vector<1x16xf32>,
        %parallel_loop3A_782 = vector.shape_cast %parallel_loop3A_781 : vector<1x16xf32> to vector<16xf32>
        %parallel_loop3A_783 = vector.shape_cast %parallel_loop3A_778 : vector<16xf32> to vector<1x16xf32>
        tpu.vector_store %arg8[%parallel_loop3A_779, %parallel_loop3A_780], %parallel_loop3A_783 {add = true, strides = array<i32>} : memref<96x768xf32, #tpu.memory_space<vmem>>, vector<1x16xf32>,
        %parallel_loop3A_784 = arith.addi %multiple_of3A_318, %parallel_loop3A_387 : i32
        %parallel_loop3A_785 = arith.addi %multiple_of3A_323, %parallel_loop3A_387 : i32
        %parallel_loop3A_786 = arith.index_cast %parallel_loop3A_785 : i32 to index
        %parallel_loop3A_787 = arith.constant 576 : index
        %parallel_loop3A_788 = tpu.vector_load %arg7[%parallel_loop3A_786, %parallel_loop3A_787] {strides = array<i32>} : memref<64x768xf32, #tpu.memory_space<vmem>>, vector<1x16xf32>,
        %parallel_loop3A_789 = vector.shape_cast %parallel_loop3A_788 : vector<1x16xf32> to vector<16xf32>
        %parallel_loop3A_790 = arith.index_cast %parallel_loop3A_784 : i32 to index
        %parallel_loop3A_791 = arith.constant 576 : index
        %parallel_loop3A_792 = tpu.vector_load %arg8[%parallel_loop3A_790, %parallel_loop3A_791] {strides = array<i32>} : memref<96x768xf32, #tpu.memory_space<vmem>>, vector<1x16xf32>,
        %parallel_loop3A_793 = vector.shape_cast %parallel_loop3A_792 : vector<1x16xf32> to vector<16xf32>
        %parallel_loop3A_794 = vector.shape_cast %parallel_loop3A_789 : vector<16xf32> to vector<1x16xf32>
        tpu.vector_store %arg8[%parallel_loop3A_790, %parallel_loop3A_791], %parallel_loop3A_794 {add = true, strides = array<i32>} : memref<96x768xf32, #tpu.memory_space<vmem>>, vector<1x16xf32>,
        %parallel_loop3A_795 = arith.addi %multiple_of3A_318, %parallel_loop3A_387 : i32
        %parallel_loop3A_796 = arith.addi %multiple_of3A_323, %parallel_loop3A_387 : i32
        %parallel_loop3A_797 = arith.index_cast %parallel_loop3A_796 : i32 to index
        %parallel_loop3A_798 = arith.constant 592 : index
        %parallel_loop3A_799 = tpu.vector_load %arg7[%parallel_loop3A_797, %parallel_loop3A_798] {strides = array<i32>} : memref<64x768xf32, #tpu.memory_space<vmem>>, vector<1x16xf32>,
        %parallel_loop3A_800 = vector.shape_cast %parallel_loop3A_799 : vector<1x16xf32> to vector<16xf32>
        %parallel_loop3A_801 = arith.index_cast %parallel_loop3A_795 : i32 to index
        %parallel_loop3A_802 = arith.constant 592 : index
        %parallel_loop3A_803 = tpu.vector_load %arg8[%parallel_loop3A_801, %parallel_loop3A_802] {strides = array<i32>} : memref<96x768xf32, #tpu.memory_space<vmem>>, vector<1x16xf32>,
        %parallel_loop3A_804 = vector.shape_cast %parallel_loop3A_803 : vector<1x16xf32> to vector<16xf32>
        %parallel_loop3A_805 = vector.shape_cast %parallel_loop3A_800 : vector<16xf32> to vector<1x16xf32>
        tpu.vector_store %arg8[%parallel_loop3A_801, %parallel_loop3A_802], %parallel_loop3A_805 {add = true, strides = array<i32>} : memref<96x768xf32, #tpu.memory_space<vmem>>, vector<1x16xf32>,
        %parallel_loop3A_806 = arith.addi %multiple_of3A_318, %parallel_loop3A_387 : i32
        %parallel_loop3A_807 = arith.addi %multiple_of3A_323, %parallel_loop3A_387 : i32
        %parallel_loop3A_808 = arith.index_cast %parallel_loop3A_807 : i32 to index
        %parallel_loop3A_809 = arith.constant 608 : index
        %parallel_loop3A_810 = tpu.vector_load %arg7[%parallel_loop3A_808, %parallel_loop3A_809] {strides = array<i32>} : memref<64x768xf32, #tpu.memory_space<vmem>>, vector<1x16xf32>,
        %parallel_loop3A_811 = vector.shape_cast %parallel_loop3A_810 : vector<1x16xf32> to vector<16xf32>
        %parallel_loop3A_812 = arith.index_cast %parallel_loop3A_806 : i32 to index
        %parallel_loop3A_813 = arith.constant 608 : index
        %parallel_loop3A_814 = tpu.vector_load %arg8[%parallel_loop3A_812, %parallel_loop3A_813] {strides = array<i32>} : memref<96x768xf32, #tpu.memory_space<vmem>>, vector<1x16xf32>,
        %parallel_loop3A_815 = vector.shape_cast %parallel_loop3A_814 : vector<1x16xf32> to vector<16xf32>
        %parallel_loop3A_816 = vector.shape_cast %parallel_loop3A_811 : vector<16xf32> to vector<1x16xf32>
        tpu.vector_store %arg8[%parallel_loop3A_812, %parallel_loop3A_813], %parallel_loop3A_816 {add = true, strides = array<i32>} : memref<96x768xf32, #tpu.memory_space<vmem>>, vector<1x16xf32>,
        %parallel_loop3A_817 = arith.addi %multiple_of3A_318, %parallel_loop3A_387 : i32
        %parallel_loop3A_818 = arith.addi %multiple_of3A_323, %parallel_loop3A_387 : i32
        %parallel_loop3A_819 = arith.index_cast %parallel_loop3A_818 : i32 to index
        %parallel_loop3A_820 = arith.constant 624 : index
        %parallel_loop3A_821 = tpu.vector_load %arg7[%parallel_loop3A_819, %parallel_loop3A_820] {strides = array<i32>} : memref<64x768xf32, #tpu.memory_space<vmem>>, vector<1x16xf32>,
        %parallel_loop3A_822 = vector.shape_cast %parallel_loop3A_821 : vector<1x16xf32> to vector<16xf32>
        %parallel_loop3A_823 = arith.index_cast %parallel_loop3A_817 : i32 to index
        %parallel_loop3A_824 = arith.constant 624 : index
        %parallel_loop3A_825 = tpu.vector_load %arg8[%parallel_loop3A_823, %parallel_loop3A_824] {strides = array<i32>} : memref<96x768xf32, #tpu.memory_space<vmem>>, vector<1x16xf32>,
        %parallel_loop3A_826 = vector.shape_cast %parallel_loop3A_825 : vector<1x16xf32> to vector<16xf32>
        %parallel_loop3A_827 = vector.shape_cast %parallel_loop3A_822 : vector<16xf32> to vector<1x16xf32>
        tpu.vector_store %arg8[%parallel_loop3A_823, %parallel_loop3A_824], %parallel_loop3A_827 {add = true, strides = array<i32>} : memref<96x768xf32, #tpu.memory_space<vmem>>, vector<1x16xf32>,
        %parallel_loop3A_828 = arith.addi %multiple_of3A_318, %parallel_loop3A_387 : i32
        %parallel_loop3A_829 = arith.addi %multiple_of3A_323, %parallel_loop3A_387 : i32
        %parallel_loop3A_830 = arith.index_cast %parallel_loop3A_829 : i32 to index
        %parallel_loop3A_831 = arith.constant 640 : index
        %parallel_loop3A_832 = tpu.vector_load %arg7[%parallel_loop3A_830, %parallel_loop3A_831] {strides = array<i32>} : memref<64x768xf32, #tpu.memory_space<vmem>>, vector<1x16xf32>,
        %parallel_loop3A_833 = vector.shape_cast %parallel_loop3A_832 : vector<1x16xf32> to vector<16xf32>
        %parallel_loop3A_834 = arith.index_cast %parallel_loop3A_828 : i32 to index
        %parallel_loop3A_835 = arith.constant 640 : index
        %parallel_loop3A_836 = tpu.vector_load %arg8[%parallel_loop3A_834, %parallel_loop3A_835] {strides = array<i32>} : memref<96x768xf32, #tpu.memory_space<vmem>>, vector<1x16xf32>,
        %parallel_loop3A_837 = vector.shape_cast %parallel_loop3A_836 : vector<1x16xf32> to vector<16xf32>
        %parallel_loop3A_838 = vector.shape_cast %parallel_loop3A_833 : vector<16xf32> to vector<1x16xf32>
        tpu.vector_store %arg8[%parallel_loop3A_834, %parallel_loop3A_835], %parallel_loop3A_838 {add = true, strides = array<i32>} : memref<96x768xf32, #tpu.memory_space<vmem>>, vector<1x16xf32>,
        %parallel_loop3A_839 = arith.addi %multiple_of3A_318, %parallel_loop3A_387 : i32
        %parallel_loop3A_840 = arith.addi %multiple_of3A_323, %parallel_loop3A_387 : i32
        %parallel_loop3A_841 = arith.index_cast %parallel_loop3A_840 : i32 to index
        %parallel_loop3A_842 = arith.constant 656 : index
        %parallel_loop3A_843 = tpu.vector_load %arg7[%parallel_loop3A_841, %parallel_loop3A_842] {strides = array<i32>} : memref<64x768xf32, #tpu.memory_space<vmem>>, vector<1x16xf32>,
        %parallel_loop3A_844 = vector.shape_cast %parallel_loop3A_843 : vector<1x16xf32> to vector<16xf32>
        %parallel_loop3A_845 = arith.index_cast %parallel_loop3A_839 : i32 to index
        %parallel_loop3A_846 = arith.constant 656 : index
        %parallel_loop3A_847 = tpu.vector_load %arg8[%parallel_loop3A_845, %parallel_loop3A_846] {strides = array<i32>} : memref<96x768xf32, #tpu.memory_space<vmem>>, vector<1x16xf32>,
        %parallel_loop3A_848 = vector.shape_cast %parallel_loop3A_847 : vector<1x16xf32> to vector<16xf32>
        %parallel_loop3A_849 = vector.shape_cast %parallel_loop3A_844 : vector<16xf32> to vector<1x16xf32>
        tpu.vector_store %arg8[%parallel_loop3A_845, %parallel_loop3A_846], %parallel_loop3A_849 {add = true, strides = array<i32>} : memref<96x768xf32, #tpu.memory_space<vmem>>, vector<1x16xf32>,
        %parallel_loop3A_850 = arith.addi %multiple_of3A_318, %parallel_loop3A_387 : i32
        %parallel_loop3A_851 = arith.addi %multiple_of3A_323, %parallel_loop3A_387 : i32
        %parallel_loop3A_852 = arith.index_cast %parallel_loop3A_851 : i32 to index
        %parallel_loop3A_853 = arith.constant 672 : index
        %parallel_loop3A_854 = tpu.vector_load %arg7[%parallel_loop3A_852, %parallel_loop3A_853] {strides = array<i32>} : memref<64x768xf32, #tpu.memory_space<vmem>>, vector<1x16xf32>,
        %parallel_loop3A_855 = vector.shape_cast %parallel_loop3A_854 : vector<1x16xf32> to vector<16xf32>
        %parallel_loop3A_856 = arith.index_cast %parallel_loop3A_850 : i32 to index
        %parallel_loop3A_857 = arith.constant 672 : index
        %parallel_loop3A_858 = tpu.vector_load %arg8[%parallel_loop3A_856, %parallel_loop3A_857] {strides = array<i32>} : memref<96x768xf32, #tpu.memory_space<vmem>>, vector<1x16xf32>,
        %parallel_loop3A_859 = vector.shape_cast %parallel_loop3A_858 : vector<1x16xf32> to vector<16xf32>
        %parallel_loop3A_860 = vector.shape_cast %parallel_loop3A_855 : vector<16xf32> to vector<1x16xf32>
        tpu.vector_store %arg8[%parallel_loop3A_856, %parallel_loop3A_857], %parallel_loop3A_860 {add = true, strides = array<i32>} : memref<96x768xf32, #tpu.memory_space<vmem>>, vector<1x16xf32>,
        %parallel_loop3A_861 = arith.addi %multiple_of3A_318, %parallel_loop3A_387 : i32
        %parallel_loop3A_862 = arith.addi %multiple_of3A_323, %parallel_loop3A_387 : i32
        %parallel_loop3A_863 = arith.index_cast %parallel_loop3A_862 : i32 to index
        %parallel_loop3A_864 = arith.constant 688 : index
        %parallel_loop3A_865 = tpu.vector_load %arg7[%parallel_loop3A_863, %parallel_loop3A_864] {strides = array<i32>} : memref<64x768xf32, #tpu.memory_space<vmem>>, vector<1x16xf32>,
        %parallel_loop3A_866 = vector.shape_cast %parallel_loop3A_865 : vector<1x16xf32> to vector<16xf32>
        %parallel_loop3A_867 = arith.index_cast %parallel_loop3A_861 : i32 to index
        %parallel_loop3A_868 = arith.constant 688 : index
        %parallel_loop3A_869 = tpu.vector_load %arg8[%parallel_loop3A_867, %parallel_loop3A_868] {strides = array<i32>} : memref<96x768xf32, #tpu.memory_space<vmem>>, vector<1x16xf32>,
        %parallel_loop3A_870 = vector.shape_cast %parallel_loop3A_869 : vector<1x16xf32> to vector<16xf32>
        %parallel_loop3A_871 = vector.shape_cast %parallel_loop3A_866 : vector<16xf32> to vector<1x16xf32>
        tpu.vector_store %arg8[%parallel_loop3A_867, %parallel_loop3A_868], %parallel_loop3A_871 {add = true, strides = array<i32>} : memref<96x768xf32, #tpu.memory_space<vmem>>, vector<1x16xf32>,
        %parallel_loop3A_872 = arith.addi %multiple_of3A_318, %parallel_loop3A_387 : i32
        %parallel_loop3A_873 = arith.addi %multiple_of3A_323, %parallel_loop3A_387 : i32
        %parallel_loop3A_874 = arith.index_cast %parallel_loop3A_873 : i32 to index
        %parallel_loop3A_875 = arith.constant 704 : index
        %parallel_loop3A_876 = tpu.vector_load %arg7[%parallel_loop3A_874, %parallel_loop3A_875] {strides = array<i32>} : memref<64x768xf32, #tpu.memory_space<vmem>>, vector<1x16xf32>,
        %parallel_loop3A_877 = vector.shape_cast %parallel_loop3A_876 : vector<1x16xf32> to vector<16xf32>
        %parallel_loop3A_878 = arith.index_cast %parallel_loop3A_872 : i32 to index
        %parallel_loop3A_879 = arith.constant 704 : index
        %parallel_loop3A_880 = tpu.vector_load %arg8[%parallel_loop3A_878, %parallel_loop3A_879] {strides = array<i32>} : memref<96x768xf32, #tpu.memory_space<vmem>>, vector<1x16xf32>,
        %parallel_loop3A_881 = vector.shape_cast %parallel_loop3A_880 : vector<1x16xf32> to vector<16xf32>
        %parallel_loop3A_882 = vector.shape_cast %parallel_loop3A_877 : vector<16xf32> to vector<1x16xf32>
        tpu.vector_store %arg8[%parallel_loop3A_878, %parallel_loop3A_879], %parallel_loop3A_882 {add = true, strides = array<i32>} : memref<96x768xf32, #tpu.memory_space<vmem>>, vector<1x16xf32>,
        %parallel_loop3A_883 = arith.addi %multiple_of3A_318, %parallel_loop3A_387 : i32
        %parallel_loop3A_884 = arith.addi %multiple_of3A_323, %parallel_loop3A_387 : i32
        %parallel_loop3A_885 = arith.index_cast %parallel_loop3A_884 : i32 to index
        %parallel_loop3A_886 = arith.constant 720 : index
        %parallel_loop3A_887 = tpu.vector_load %arg7[%parallel_loop3A_885, %parallel_loop3A_886] {strides = array<i32>} : memref<64x768xf32, #tpu.memory_space<vmem>>, vector<1x16xf32>,
        %parallel_loop3A_888 = vector.shape_cast %parallel_loop3A_887 : vector<1x16xf32> to vector<16xf32>
        %parallel_loop3A_889 = arith.index_cast %parallel_loop3A_883 : i32 to index
        %parallel_loop3A_890 = arith.constant 720 : index
        %parallel_loop3A_891 = tpu.vector_load %arg8[%parallel_loop3A_889, %parallel_loop3A_890] {strides = array<i32>} : memref<96x768xf32, #tpu.memory_space<vmem>>, vector<1x16xf32>,
        %parallel_loop3A_892 = vector.shape_cast %parallel_loop3A_891 : vector<1x16xf32> to vector<16xf32>
        %parallel_loop3A_893 = vector.shape_cast %parallel_loop3A_888 : vector<16xf32> to vector<1x16xf32>
        tpu.vector_store %arg8[%parallel_loop3A_889, %parallel_loop3A_890], %parallel_loop3A_893 {add = true, strides = array<i32>} : memref<96x768xf32, #tpu.memory_space<vmem>>, vector<1x16xf32>,
        %parallel_loop3A_894 = arith.addi %multiple_of3A_318, %parallel_loop3A_387 : i32
        %parallel_loop3A_895 = arith.addi %multiple_of3A_323, %parallel_loop3A_387 : i32
        %parallel_loop3A_896 = arith.index_cast %parallel_loop3A_895 : i32 to index
        %parallel_loop3A_897 = arith.constant 736 : index
        %parallel_loop3A_898 = tpu.vector_load %arg7[%parallel_loop3A_896, %parallel_loop3A_897] {strides = array<i32>} : memref<64x768xf32, #tpu.memory_space<vmem>>, vector<1x16xf32>,
        %parallel_loop3A_899 = vector.shape_cast %parallel_loop3A_898 : vector<1x16xf32> to vector<16xf32>
        %parallel_loop3A_900 = arith.index_cast %parallel_loop3A_894 : i32 to index
        %parallel_loop3A_901 = arith.constant 736 : index
        %parallel_loop3A_902 = tpu.vector_load %arg8[%parallel_loop3A_900, %parallel_loop3A_901] {strides = array<i32>} : memref<96x768xf32, #tpu.memory_space<vmem>>, vector<1x16xf32>,
        %parallel_loop3A_903 = vector.shape_cast %parallel_loop3A_902 : vector<1x16xf32> to vector<16xf32>
        %parallel_loop3A_904 = vector.shape_cast %parallel_loop3A_899 : vector<16xf32> to vector<1x16xf32>
        tpu.vector_store %arg8[%parallel_loop3A_900, %parallel_loop3A_901], %parallel_loop3A_904 {add = true, strides = array<i32>} : memref<96x768xf32, #tpu.memory_space<vmem>>, vector<1x16xf32>,
        %parallel_loop3A_905 = arith.addi %multiple_of3A_318, %parallel_loop3A_387 : i32
        %parallel_loop3A_906 = arith.addi %multiple_of3A_323, %parallel_loop3A_387 : i32
        %parallel_loop3A_907 = arith.index_cast %parallel_loop3A_906 : i32 to index
        %parallel_loop3A_908 = arith.constant 752 : index
        %parallel_loop3A_909 = tpu.vector_load %arg7[%parallel_loop3A_907, %parallel_loop3A_908] {strides = array<i32>} : memref<64x768xf32, #tpu.memory_space<vmem>>, vector<1x16xf32>,
        %parallel_loop3A_910 = vector.shape_cast %parallel_loop3A_909 : vector<1x16xf32> to vector<16xf32>
        %parallel_loop3A_911 = arith.index_cast %parallel_loop3A_905 : i32 to index
        %parallel_loop3A_912 = arith.constant 752 : index
        %parallel_loop3A_913 = tpu.vector_load %arg8[%parallel_loop3A_911, %parallel_loop3A_912] {strides = array<i32>} : memref<96x768xf32, #tpu.memory_space<vmem>>, vector<1x16xf32>,
        %parallel_loop3A_914 = vector.shape_cast %parallel_loop3A_913 : vector<1x16xf32> to vector<16xf32>
        %parallel_loop3A_915 = vector.shape_cast %parallel_loop3A_910 : vector<16xf32> to vector<1x16xf32>
        tpu.vector_store %arg8[%parallel_loop3A_911, %parallel_loop3A_912], %parallel_loop3A_915 {add = true, strides = array<i32>} : memref<96x768xf32, #tpu.memory_space<vmem>>, vector<1x16xf32>,
      } {sc.loop_unroll_factor = 1 : i64, sc.parallel_access}
      %rem3A_326 = arith.constant 6 : i32
      %rem3A_327 = arith.remsi %scan3A_277, %rem3A_326 : i32
      %mul3A_328 = arith.constant 16 : i32
      %mul3A_329 = arith.muli %rem3A_327, %mul3A_328 : i32
      %multiple_of3A_330 = tpu.assume_multiple %mul3A_329, 16 : i32
      %jit3A_331 = arith.constant 4 : i32
      %div3A_332 = arith.divsi %scan3A_277, %jit3A_331 : i32
      %sign3A_333 = arith.constant 0 : i32
      %sign3A_334 = arith.cmpi sgt, %scan3A_277, %sign3A_333 : i32
      %sign3A_335 = arith.extui %sign3A_334 : i1 to i32
      %sign3A_336 = arith.constant 0 : i32
      %sign3A_337 = arith.cmpi slt, %scan3A_277, %sign3A_336 : i32
      %sign3A_338 = arith.extui %sign3A_337 : i1 to i32
      %sign3A_339 = arith.subi %sign3A_335, %sign3A_338 : i32
      %sign3A_340 = arith.constant 0 : i32
      %sign3A_341 = arith.cmpi sgt, %jit3A_331, %sign3A_340 : i32
      %sign3A_342 = arith.extui %sign3A_341 : i1 to i32
      %sign3A_343 = arith.constant 0 : i32
      %sign3A_344 = arith.cmpi slt, %jit3A_331, %sign3A_343 : i32
      %sign3A_345 = arith.extui %sign3A_344 : i1 to i32
      %sign3A_346 = arith.subi %sign3A_342, %sign3A_345 : i32
      %ne3A_347 = arith.cmpi ne, %sign3A_339, %sign3A_346 : i32
      %rem3A_348 = arith.remsi %scan3A_277, %jit3A_331 : i32
      %ne3A_349 = arith.constant 0 : i32
      %ne3A_350 = arith.cmpi ne, %rem3A_348, %ne3A_349 : i32
      %and3A_351 = arith.andi %ne3A_347, %ne3A_350 : i1
      %sub3A_352 = arith.constant 1 : i32
      %sub3A_353 = arith.subi %div3A_332, %sub3A_352 : i32
      %select_n3A_354 = arith.select %and3A_351, %sub3A_353, %div3A_332 : i32
      %mul3A_355 = arith.constant 2048 : i32
      %mul3A_356 = arith.muli %select_n3A_354, %mul3A_355 : i32
      %add3A_357 = arith.addi %mul3A_356, %mul3A_2 : i32
      %rem3A_358 = arith.constant 4 : i32
      %rem3A_359 = arith.remsi %scan3A_277, %rem3A_358 : i32
      %mul3A_360 = arith.constant 16 : i32
      %mul3A_361 = arith.muli %rem3A_359, %mul3A_360 : i32
      %add3A_362 = arith.addi %add3A_357, %mul3A_361 : i32
      %multiple_of3A_363 = tpu.assume_multiple %add3A_362, 16 : i32
      %dma_start3A_364 = arith.constant 0 : i32
      %dma_start3A_365 = tpu.memref_slice %arg8[%multiple_of3A_330, %dma_start3A_364] : memref<96x768xf32, #tpu.memory_space<vmem>> -> memref<16x768xf32, #tpu.memory_space<vmem>>
      %dma_start3A_366 = arith.constant 0 : i32
      %dma_start3A_367 = tpu.memref_slice %arg5[%multiple_of3A_363, %dma_start3A_366] : memref<8192x768xf32, #tpu.memory_space<hbm>> -> memref<16x768xf32, #tpu.memory_space<hbm>>
      %dma_start3A_368 = arith.constant 0 : i32
      %dma_start3A_369 = tpu.memref_slice %arg5[%multiple_of3A_363, %dma_start3A_368] : memref<8192x768xf32, #tpu.memory_space<hbm>> -> memref<16x768xf32, #tpu.memory_space<hbm>>
      %dma_start3A_370 = arith.constant 0 : i32
      %dma_start3A_371 = tpu.memref_slice %arg8[%multiple_of3A_330, %dma_start3A_370] : memref<96x768xf32, #tpu.memory_space<vmem>> -> memref<16x768xf32, #tpu.memory_space<vmem>>
      tpu.enqueue_dma source(%dma_start3A_371 : memref<16x768xf32, #tpu.memory_space<vmem>>) target(%dma_start3A_369 : memref<16x768xf32, #tpu.memory_space<hbm>>) target_semaphore(%arg11 : memref<!tpu.dma_semaphore, #tpu.memory_space<semaphore_mem>>)
      %add3A_372 = arith.constant 3 : i32
      %add3A_373 = arith.addi %scan3A_277, %add3A_372 : i32
      %sub3A_374 = arith.constant 6 : i32
      %sub3A_375 = arith.subi %add3A_373, %sub3A_374 : i32
      %ge3A = arith.constant 0 : i32
      %ge3A_376 = arith.cmpi sge, %sub3A_375, %ge3A : i32
      %convert_element_type3A_377 = arith.extui %ge3A_376 : i1 to i32
      %cond3A_378 = arith.constant 0 : i32
      %cond3A_379 = arith.cmpi ne, %convert_element_type3A_377, %cond3A_378 : i32
      scf.if %cond3A_379 {
        %add3A_387 = arith.constant 3 : i32
        %add3A_388 = arith.addi %scan3A_277, %add3A_387 : i32
        %sub3A_389 = arith.constant 6 : i32
        %sub3A_390 = arith.subi %add3A_388, %sub3A_389 : i32
        %rem3A_391 = arith.constant 6 : i32
        %rem3A_392 = arith.remsi %sub3A_390, %rem3A_391 : i32
        %mul3A_393 = arith.constant 16 : i32
        %mul3A_394 = arith.muli %rem3A_392, %mul3A_393 : i32
        %multiple_of3A_395 = tpu.assume_multiple %mul3A_394, 16 : i32
        %jit3A_396 = arith.constant 4 : i32
        %div3A_397 = arith.divsi %sub3A_390, %jit3A_396 : i32
        %sign3A_398 = arith.constant 0 : i32
        %sign3A_399 = arith.cmpi sgt, %sub3A_390, %sign3A_398 : i32
        %sign3A_400 = arith.extui %sign3A_399 : i1 to i32
        %sign3A_401 = arith.constant 0 : i32
        %sign3A_402 = arith.cmpi slt, %sub3A_390, %sign3A_401 : i32
        %sign3A_403 = arith.extui %sign3A_402 : i1 to i32
        %sign3A_404 = arith.subi %sign3A_400, %sign3A_403 : i32
        %sign3A_405 = arith.constant 0 : i32
        %sign3A_406 = arith.cmpi sgt, %jit3A_396, %sign3A_405 : i32
        %sign3A_407 = arith.extui %sign3A_406 : i1 to i32
        %sign3A_408 = arith.constant 0 : i32
        %sign3A_409 = arith.cmpi slt, %jit3A_396, %sign3A_408 : i32
        %sign3A_410 = arith.extui %sign3A_409 : i1 to i32
        %sign3A_411 = arith.subi %sign3A_407, %sign3A_410 : i32
        %ne3A_412 = arith.cmpi ne, %sign3A_404, %sign3A_411 : i32
        %rem3A_413 = arith.remsi %sub3A_390, %jit3A_396 : i32
        %ne3A_414 = arith.constant 0 : i32
        %ne3A_415 = arith.cmpi ne, %rem3A_413, %ne3A_414 : i32
        %and3A_416 = arith.andi %ne3A_412, %ne3A_415 : i1
        %sub3A_417 = arith.constant 1 : i32
        %sub3A_418 = arith.subi %div3A_397, %sub3A_417 : i32
        %select_n3A_419 = arith.select %and3A_416, %sub3A_418, %div3A_397 : i32
        %mul3A_420 = arith.constant 2048 : i32
        %mul3A_421 = arith.muli %select_n3A_419, %mul3A_420 : i32
        %add3A_422 = arith.addi %mul3A_421, %mul3A_2 : i32
        %rem3A_423 = arith.constant 4 : i32
        %rem3A_424 = arith.remsi %sub3A_390, %rem3A_423 : i32
        %mul3A_425 = arith.constant 16 : i32
        %mul3A_426 = arith.muli %rem3A_424, %mul3A_425 : i32
        %add3A_427 = arith.addi %add3A_422, %mul3A_426 : i32
        %multiple_of3A_428 = tpu.assume_multiple %add3A_427, 16 : i32
        %dma_wait3A_429 = arith.constant 0 : i32
        %dma_wait3A_430 = tpu.memref_slice %arg8[%multiple_of3A_395, %dma_wait3A_429] : memref<96x768xf32, #tpu.memory_space<vmem>> -> memref<16x768xf32, #tpu.memory_space<vmem>>
        %dma_wait3A_431 = arith.constant 0 : i32
        %dma_wait3A_432 = tpu.memref_slice %arg5[%multiple_of3A_428, %dma_wait3A_431] : memref<8192x768xf32, #tpu.memory_space<hbm>> -> memref<16x768xf32, #tpu.memory_space<hbm>>
        %dma_wait3A_433 = arith.constant 0 : i32
        %dma_wait3A_434 = tpu.memref_slice %arg5[%multiple_of3A_428, %dma_wait3A_433] : memref<8192x768xf32, #tpu.memory_space<hbm>> -> memref<16x768xf32, #tpu.memory_space<hbm>>
        %dma_wait3A_435 = arith.constant 0 : i32
        %dma_wait3A_436 = tpu.memref_slice %arg8[%multiple_of3A_395, %dma_wait3A_435] : memref<96x768xf32, #tpu.memory_space<vmem>> -> memref<16x768xf32, #tpu.memory_space<vmem>>
        tpu.wait_dma2 semaphore(%arg11 : memref<!tpu.dma_semaphore, #tpu.memory_space<semaphore_mem>>) src(%dma_wait3A_436 : memref<16x768xf32, #tpu.memory_space<vmem>>) dst(%dma_wait3A_434 : memref<16x768xf32, #tpu.memory_space<hbm>>)
      } else {
      }
      %add3A_380 = arith.constant 3 : i32
      %add3A_381 = arith.addi %scan3A_277, %add3A_380 : i32
      %lt3A_382 = arith.constant 16 : i32
      %lt3A_383 = arith.cmpi slt, %add3A_381, %lt3A_382 : i32
      %convert_element_type3A_384 = arith.extui %lt3A_383 : i1 to i32
      %cond3A_385 = arith.constant 0 : i32
      %cond3A_386 = arith.cmpi ne, %convert_element_type3A_384, %cond3A_385 : i32
      scf.if %cond3A_386 {
        %add3A_387 = arith.constant 3 : i32
        %add3A_388 = arith.addi %scan3A_277, %add3A_387 : i32
        %rem3A_389 = arith.constant 6 : i32
        %rem3A_390 = arith.remsi %add3A_388, %rem3A_389 : i32
        %mul3A_391 = arith.constant 16 : i32
        %mul3A_392 = arith.muli %rem3A_390, %mul3A_391 : i32
        %multiple_of3A_393 = tpu.assume_multiple %mul3A_392, 16 : i32
        %jit3A_394 = arith.constant 4 : i32
        %div3A_395 = arith.divsi %add3A_388, %jit3A_394 : i32
        %sign3A_396 = arith.constant 0 : i32
        %sign3A_397 = arith.cmpi sgt, %add3A_388, %sign3A_396 : i32
        %sign3A_398 = arith.extui %sign3A_397 : i1 to i32
        %sign3A_399 = arith.constant 0 : i32
        %sign3A_400 = arith.cmpi slt, %add3A_388, %sign3A_399 : i32
        %sign3A_401 = arith.extui %sign3A_400 : i1 to i32
        %sign3A_402 = arith.subi %sign3A_398, %sign3A_401 : i32
        %sign3A_403 = arith.constant 0 : i32
        %sign3A_404 = arith.cmpi sgt, %jit3A_394, %sign3A_403 : i32
        %sign3A_405 = arith.extui %sign3A_404 : i1 to i32
        %sign3A_406 = arith.constant 0 : i32
        %sign3A_407 = arith.cmpi slt, %jit3A_394, %sign3A_406 : i32
        %sign3A_408 = arith.extui %sign3A_407 : i1 to i32
        %sign3A_409 = arith.subi %sign3A_405, %sign3A_408 : i32
        %ne3A_410 = arith.cmpi ne, %sign3A_402, %sign3A_409 : i32
        %rem3A_411 = arith.remsi %add3A_388, %jit3A_394 : i32
        %ne3A_412 = arith.constant 0 : i32
        %ne3A_413 = arith.cmpi ne, %rem3A_411, %ne3A_412 : i32
        %and3A_414 = arith.andi %ne3A_410, %ne3A_413 : i1
        %sub3A_415 = arith.constant 1 : i32
        %sub3A_416 = arith.subi %div3A_395, %sub3A_415 : i32
        %select_n3A_417 = arith.select %and3A_414, %sub3A_416, %div3A_395 : i32
        %rem3A_418 = arith.constant 4 : i32
        %rem3A_419 = arith.remsi %add3A_388, %rem3A_418 : i32
        %mul3A_420 = arith.constant 16 : i32
        %mul3A_421 = arith.muli %rem3A_419, %mul3A_420 : i32
        %multiple_of3A_422 = tpu.assume_multiple %mul3A_421, 16 : i32
        %dma_start3A_423 = arith.constant 0 : i32
        %dma_start3A_424 = tpu.memref_slice %arg8[%multiple_of3A_393, %dma_start3A_423] : memref<96x768xf32, #tpu.memory_space<vmem>> -> memref<16x768xf32, #tpu.memory_space<vmem>>
        %dma_start3A_425 = tpu.memref_slice %arg6[%select_n3A_417, %multiple_of3A_422] : memref<4x64xi32, #tpu.memory_space<vmem>> -> memref<1x16xi32, #tpu.memory_space<vmem>>
        %dma_start3A_426 = tpu.memref_squeeze %dma_start3A_425 : memref<1x16xi32, #tpu.memory_space<vmem>> -> memref<16xi32, #tpu.memory_space<vmem>>
        %dma_start3A_427 = arith.constant 0 : i32
        %dma_start3A_428 = arith.constant 0 : i32
        %dma_start3A_429 = tpu.memref_slice %arg3[%dma_start3A_427, %dma_start3A_428] : memref<100000x768xf32, #tpu.memory_space<hbm>> -> memref<100000x768xf32, #tpu.memory_space<hbm>>
        tpu.enqueue_indirect_dma source(%dma_start3A_429 : memref<100000x768xf32, #tpu.memory_space<hbm>>) target(%dma_start3A_424 : memref<16x768xf32, #tpu.memory_space<vmem>>) offsets(%dma_start3A_426 : memref<16xi32, #tpu.memory_space<vmem>>) semaphore(%arg9 : memref<!tpu.dma_semaphore, #tpu.memory_space<semaphore_mem>>)
      } else {
      }
    }
    %scan3A_207 = arith.constant 16 : i32
    %rem3A_208 = arith.constant 13 : i32
    %rem3A_209 = arith.constant 6 : i32
    %rem3A_210 = arith.remsi %rem3A_208, %rem3A_209 : i32
    %mul3A_211 = arith.constant 16 : i32
    %mul3A_212 = arith.muli %rem3A_210, %mul3A_211 : i32
    %multiple_of3A_213 = tpu.assume_multiple %mul3A_212, 16 : i32
    %add3A_214 = arith.constant 6144 : i32
    %add3A_215 = arith.addi %add3A_214, %mul3A_2 : i32
    %rem3A_216 = arith.constant 13 : i32
    %rem3A_217 = arith.constant 4 : i32
    %rem3A_218 = arith.remsi %rem3A_216, %rem3A_217 : i32
    %mul3A_219 = arith.constant 16 : i32
    %mul3A_220 = arith.muli %rem3A_218, %mul3A_219 : i32
    %add3A_221 = arith.addi %add3A_215, %mul3A_220 : i32
    %multiple_of3A_222 = tpu.assume_multiple %add3A_221, 16 : i32
    %dma_wait3A_223 = arith.constant 0 : i32
    %dma_wait3A_224 = tpu.memref_slice %arg8[%multiple_of3A_213, %dma_wait3A_223] : memref<96x768xf32, #tpu.memory_space<vmem>> -> memref<16x768xf32, #tpu.memory_space<vmem>>
    %dma_wait3A_225 = arith.constant 0 : i32
    %dma_wait3A_226 = tpu.memref_slice %arg5[%multiple_of3A_222, %dma_wait3A_225] : memref<8192x768xf32, #tpu.memory_space<hbm>> -> memref<16x768xf32, #tpu.memory_space<hbm>>
    %dma_wait3A_227 = arith.constant 0 : i32
    %dma_wait3A_228 = tpu.memref_slice %arg5[%multiple_of3A_222, %dma_wait3A_227] : memref<8192x768xf32, #tpu.memory_space<hbm>> -> memref<16x768xf32, #tpu.memory_space<hbm>>
    %dma_wait3A_229 = arith.constant 0 : i32
    %dma_wait3A_230 = tpu.memref_slice %arg8[%multiple_of3A_213, %dma_wait3A_229] : memref<96x768xf32, #tpu.memory_space<vmem>> -> memref<16x768xf32, #tpu.memory_space<vmem>>
    tpu.wait_dma2 semaphore(%arg11 : memref<!tpu.dma_semaphore, #tpu.memory_space<semaphore_mem>>) src(%dma_wait3A_230 : memref<16x768xf32, #tpu.memory_space<vmem>>) dst(%dma_wait3A_228 : memref<16x768xf32, #tpu.memory_space<hbm>>)
    %rem3A_231 = arith.constant 14 : i32
    %rem3A_232 = arith.constant 6 : i32
    %rem3A_233 = arith.remsi %rem3A_231, %rem3A_232 : i32
    %mul3A_234 = arith.constant 16 : i32
    %mul3A_235 = arith.muli %rem3A_233, %mul3A_234 : i32
    %multiple_of3A_236 = tpu.assume_multiple %mul3A_235, 16 : i32
    %add3A_237 = arith.constant 6144 : i32
    %add3A_238 = arith.addi %add3A_237, %mul3A_2 : i32
    %rem3A_239 = arith.constant 14 : i32
    %rem3A_240 = arith.constant 4 : i32
    %rem3A_241 = arith.remsi %rem3A_239, %rem3A_240 : i32
    %mul3A_242 = arith.constant 16 : i32
    %mul3A_243 = arith.muli %rem3A_241, %mul3A_242 : i32
    %add3A_244 = arith.addi %add3A_238, %mul3A_243 : i32
    %multiple_of3A_245 = tpu.assume_multiple %add3A_244, 16 : i32
    %dma_wait3A_246 = arith.constant 0 : i32
    %dma_wait3A_247 = tpu.memref_slice %arg8[%multiple_of3A_236, %dma_wait3A_246] : memref<96x768xf32, #tpu.memory_space<vmem>> -> memref<16x768xf32, #tpu.memory_space<vmem>>
    %dma_wait3A_248 = arith.constant 0 : i32
    %dma_wait3A_249 = tpu.memref_slice %arg5[%multiple_of3A_245, %dma_wait3A_248] : memref<8192x768xf32, #tpu.memory_space<hbm>> -> memref<16x768xf32, #tpu.memory_space<hbm>>
    %dma_wait3A_250 = arith.constant 0 : i32
    %dma_wait3A_251 = tpu.memref_slice %arg5[%multiple_of3A_245, %dma_wait3A_250] : memref<8192x768xf32, #tpu.memory_space<hbm>> -> memref<16x768xf32, #tpu.memory_space<hbm>>
    %dma_wait3A_252 = arith.constant 0 : i32
    %dma_wait3A_253 = tpu.memref_slice %arg8[%multiple_of3A_236, %dma_wait3A_252] : memref<96x768xf32, #tpu.memory_space<vmem>> -> memref<16x768xf32, #tpu.memory_space<vmem>>
    tpu.wait_dma2 semaphore(%arg11 : memref<!tpu.dma_semaphore, #tpu.memory_space<semaphore_mem>>) src(%dma_wait3A_253 : memref<16x768xf32, #tpu.memory_space<vmem>>) dst(%dma_wait3A_251 : memref<16x768xf32, #tpu.memory_space<hbm>>)
    %rem3A_254 = arith.constant 15 : i32
    %rem3A_255 = arith.constant 6 : i32
    %rem3A_256 = arith.remsi %rem3A_254, %rem3A_255 : i32
    %mul3A_257 = arith.constant 16 : i32
    %mul3A_258 = arith.muli %rem3A_256, %mul3A_257 : i32
    %multiple_of3A_259 = tpu.assume_multiple %mul3A_258, 16 : i32
    %add3A_260 = arith.constant 6144 : i32
    %add3A_261 = arith.addi %add3A_260, %mul3A_2 : i32
    %rem3A_262 = arith.constant 15 : i32
    %rem3A_263 = arith.constant 4 : i32
    %rem3A_264 = arith.remsi %rem3A_262, %rem3A_263 : i32
    %mul3A_265 = arith.constant 16 : i32
    %mul3A_266 = arith.muli %rem3A_264, %mul3A_265 : i32
    %add3A_267 = arith.addi %add3A_261, %mul3A_266 : i32
    %multiple_of3A_268 = tpu.assume_multiple %add3A_267, 16 : i32
    %dma_wait3A_269 = arith.constant 0 : i32
    %dma_wait3A_270 = tpu.memref_slice %arg8[%multiple_of3A_259, %dma_wait3A_269] : memref<96x768xf32, #tpu.memory_space<vmem>> -> memref<16x768xf32, #tpu.memory_space<vmem>>
    %dma_wait3A_271 = arith.constant 0 : i32
    %dma_wait3A_272 = tpu.memref_slice %arg5[%multiple_of3A_268, %dma_wait3A_271] : memref<8192x768xf32, #tpu.memory_space<hbm>> -> memref<16x768xf32, #tpu.memory_space<hbm>>
    %dma_wait3A_273 = arith.constant 0 : i32
    %dma_wait3A_274 = tpu.memref_slice %arg5[%multiple_of3A_268, %dma_wait3A_273] : memref<8192x768xf32, #tpu.memory_space<hbm>> -> memref<16x768xf32, #tpu.memory_space<hbm>>
    %dma_wait3A_275 = arith.constant 0 : i32
    %dma_wait3A_276 = tpu.memref_slice %arg8[%multiple_of3A_259, %dma_wait3A_275] : memref<96x768xf32, #tpu.memory_space<vmem>> -> memref<16x768xf32, #tpu.memory_space<vmem>>
    tpu.wait_dma2 semaphore(%arg11 : memref<!tpu.dma_semaphore, #tpu.memory_space<semaphore_mem>>) src(%dma_wait3A_276 : memref<16x768xf32, #tpu.memory_space<vmem>>) dst(%dma_wait3A_274 : memref<16x768xf32, #tpu.memory_space<hbm>>)
    return
  }
}

</mosaic_0001>

<sc_bundles>
// kernel: kernel.3.cloned.1.call-start
scs
__scs_entry_jumppad:
0x0: {  	(pc) =	sbr.rel $0x88, $3  }
0x1: {  	(tag) =	ssettag $0x0;
	lr =	simm.s32 $0x1  }
0x2: {  	[smem:$0x3F9E] =	sst lr;
	_ =	strace $0xD0000000  }
0x3: {  	_ = 	snop  }
0x4: {  	_ = 	snop  }
0x5: {  	_ = 	snop  }
0x6: {  	_ = 	snop  }
0x7: {  	_ = 	snop  }
__scs_overlays_trampoline_lowered:
0x8: {  	[smem:$0x3FAD] =	sst s0  }
0x9: {  	[smem:$0x3FAE] =	sst s1  }
0xa: {  	[smem:$0x3FAF] =	sst s2  }
0xb: {  	[smem:$0x3FB0] =	sst s3  }
0xc: {  	[smem:$0x3FB1] =	sst s4  }
0xd: {  	[smem:$0x3FB2] =	sst s5  }
0xe: {  	[smem:$0x3FB3] =	sst s6  }
0xf: {  	[smem:$0x3FB4] =	sst s7  }
0x10: {  	[smem:$0x3FB5] =	sst s8  }
0x11: {  	[smem:$0x3FB6] =	sst s9;
	s0 =	simm.s32 @!p0 $0x0  }
0x12: {  	s1 =	sld [smem:$0x3F9C];
	s0 =	simm.s32 @p0 $0x1  }
0x13: {  	[smem:$0x3FB7] =	sst s0;
	s0 =	simm.s32 @!p1 $0x0  }
0x14: {  	s2 =	sld [smem:$0x3F9B];
	s0 =	simm.s32 @p1 $0x1  }
0x15: {  	[smem:$0x3FB8] =	sst s0;
	s0 =	simm.s32 @!p2 $0x0  }
0x16: {  	s3 =	sld [smem:$0x3FDB];
	s0 =	simm.s32 @p2 $0x1  }
0x17: {  	s4 =	simm.s32 $0x1BF5;
	[smem:$0x3FBA] =	sst s0  }
0x18: {  	s0 =	sld [smem:$0x3F9D];
	_ =	swait.ge [sflag:s4], $0x0  }
0x19: {  	s7 =	sld [smem:$0x3F9E]  }
0x1a: {  	s8 =	sadd.s32 $0xFFFFE003, lr  }
0x1b: {  	s9 =	sadd.s32 $0xFFFFFEF7, lr;
	s5 =	simm.s32 $0xFFFFFFFF;
	p2 =	slt.u32 s8, $0xFFFFF086  }
0x1c: {  	p1 =	slt.u32 s9, $0xF7A;
	s5 =	simm.s32 @!p2 $0x0  }
0x1d: {  	s5 =	simm.s32 @p1 $0x1;
	p0 =	seq.s32 s7, s2  }
0x1e: {  	s7 =	smul.u32 @!p0 $0xF7A, s2;
	p2 =	seq.s32 @!p0 s5, $0x0  }
0x1f: {  	s9 =	smul.u32 $0xF7A, s1;
	s8 =	simm.s32 @!p0 $0x1BF5;
	p2 =	por !p2, p0  }
0x20: {  	[sflag:s8] =	ssyncset.s32 @!p0 $0xFFFFF086;
	s6 =	sadd.s32 @!p0 s3, s7;
	s7 =	simm.s32 @!p0 $0x108  }
0x21: {  	s3 =	sadd.s32 s3, s9;
	s6 =	sadd.s32 @!p0 $0x88, s6;
	s7 =	simm.s32 @p2 $0x1082  }
0x22: {  	[simem:s7], [sflag:s8] =	dma.local @!p0 [hbm:s6], $0xF7A  }
0x23: {  	s9 =	sor.u32 $0xD0000000, s2;
	s6 =	simm.s32 $0x108;
	_ =	swait.ge @!p0 [sflag:s8], $0x0  }
0x24: {  	s3 =	sadd.s32 $0x88, s3;
	s6 =	simm.s32 @!p1 $0x1082;
	[sflag:s4] =	ssyncset.s32 $0xFFFFF086  }
0x25: {  	[simem:s6], [sflag:s4] =	dma.local [hbm:s3], $0xF7A  }
0x26: {  	[smem:$0x3F9E] =	sst s1;
	(tag) =	ssettag s2;
	_ =	strace s9  }
0x27: {  	s1 =	sld [smem:$0x3FAE]  }
0x28: {  	s2 =	sld [smem:$0x3FAF]  }
0x29: {  	s4 =	sld [smem:$0x3FB1]  }
0x2a: {  	p0 =	seq.s32 s5, $0x0;
	s5 =	sld [smem:$0x3FB2]  }
0x2b: {  	s6 =	sld [smem:$0x3FB3]  }
0x2c: {  	s7 =	sld [smem:$0x3FB4]  }
0x2d: {  	s3 =	simm.s32 $0x108;
	s8 =	sld [smem:$0x3FB5]  }
0x2e: {  	s3 =	simm.s32 @!p0 $0x1082;
	s9 =	sld [smem:$0x3FB6]  }
0x2f: {  	lr =	sadd.s32 s0, s3;
	s0 =	sld [smem:$0x3FAD]  }
0x30: {  	s3 =	sld [smem:$0x3FB0]  }
0x31: {  	[smem:$0x3FB9] =	sst s10  }
0x32: {  	s10 =	sld [smem:$0x3FB7];
	_ =	sdelay $0x3  }
0x33: {  	p0 =	seq.s32 s10, $0x1;
	s10 =	sld [smem:$0x3FB9];
	_ =	sdelay $0x3  }
0x34: {  	[smem:$0x3FB9] =	sst s10  }
0x35: {  	s10 =	sld [smem:$0x3FB8];
	_ =	sdelay $0x3  }
0x36: {  	p1 =	seq.s32 s10, $0x1;
	s10 =	sld [smem:$0x3FB9];
	_ =	sdelay $0x3  }
0x37: {  	[smem:$0x3FB9] =	sst s10  }
0x38: {  	s10 =	sld [smem:$0x3FBA]  }
0x39: {  	_ = 	snop;
	(pc) =	sbr.ind lr, $3  }
0x3a: {  	_ = 	snop  }
0x3b: {  	_ = 	snop  }
0x3c: {  	p2 =	seq.s32 s10, $0x1;
	s10 =	sld [smem:$0x3FB9]  }
0x3d: {  	_ =	shalt  }
0x3e: {  	_ =	shalt  }
0x3f: {  	_ =	shalt  }
0x40: {  	_ =	shalt  }
0x41: {  	_ =	shalt  }
0x42: {  	_ =	shalt  }
0x43: {  	_ =	shalt  }
0x44: {  	_ =	shalt  }
0x45: {  	_ =	shalt  }
0x46: {  	_ =	shalt  }
0x47: {  	_ =	shalt  }
0x48: {  	_ =	shalt  }
0x49: {  	_ =	shalt  }
0x4a: {  	_ =	shalt  }
0x4b: {  	_ =	shalt  }
0x4c: {  	_ =	shalt  }
0x4d: {  	_ =	shalt  }
0x4e: {  	_ =	shalt  }
0x4f: {  	_ =	shalt  }
0x50: {  	_ =	shalt  }
0x51: {  	_ =	shalt  }
0x52: {  	_ =	shalt  }
0x53: {  	_ =	shalt  }
0x54: {  	_ =	shalt  }
0x55: {  	_ =	shalt  }
0x56: {  	_ =	shalt  }
0x57: {  	_ =	shalt  }
0x58: {  	_ =	shalt  }
0x59: {  	_ =	shalt  }
0x5a: {  	_ =	shalt  }
0x5b: {  	_ =	shalt  }
0x5c: {  	_ =	shalt  }
0x5d: {  	_ =	shalt  }
0x5e: {  	_ =	shalt  }
0x5f: {  	_ =	shalt  }
0x60: {  	_ =	shalt  }
0x61: {  	_ =	shalt  }
0x62: {  	_ =	shalt  }
0x63: {  	_ =	shalt  }
0x64: {  	_ =	shalt  }
0x65: {  	_ =	shalt  }
0x66: {  	_ =	shalt  }
0x67: {  	_ =	shalt  }
0x68: {  	_ =	shalt  }
0x69: {  	_ =	shalt  }
0x6a: {  	_ =	shalt  }
0x6b: {  	_ =	shalt  }
0x6c: {  	_ =	shalt  }
0x6d: {  	_ =	shalt  }
0x6e: {  	_ =	shalt  }
0x6f: {  	_ =	shalt  }
0x70: {  	_ =	shalt  }
0x71: {  	_ =	shalt  }
0x72: {  	_ =	shalt  }
0x73: {  	_ =	shalt  }
0x74: {  	_ =	shalt  }
0x75: {  	_ =	shalt  }
0x76: {  	_ =	shalt  }
0x77: {  	_ =	shalt  }
0x78: {  	_ =	shalt  }
0x79: {  	_ =	shalt  }
0x7a: {  	_ =	shalt  }
0x7b: {  	_ =	shalt  }
0x7c: {  	_ =	shalt  }
0x7d: {  	_ =	shalt  }
0x7e: {  	_ =	shalt  }
0x7f: {  	_ =	shalt  }
0x80: {  	_ =	shalt  }
0x81: {  	_ =	shalt  }
0x82: {  	_ =	shalt  }
0x83: {  	_ =	shalt  }
0x84: {  	_ =	shalt  }
0x85: {  	_ =	shalt  }
0x86: {  	_ =	shalt  }
0x87: {  	_ =	shalt  }
.Lfunc_end0:
.L_simem_size_0:
called_computation_lowered:
.L_overlay_start_0:
0x88: {  	s2 =	sld [smem:$0x3FD9]  }
0x89: {  	s3 =	sld [smem:$0x3FFE];
	_ =	sdelay $0x1  }
0x8a: {  	s1 =	srdreg.scid  }
0x8b: {  	s0 =	sand.u32 $0x1, s1  }
0x8c: {  	s18 =	sshll.u32 s0, $0xA;
	s2 =	sadd.s32 s3, s2  }
0x8d: {  	s2 =	sadd.s32 s2, s18  }
0x8e: {  	[smem:$0x3FC5] =	sst s2  }
0x8f: {  	_ = 	snop  }
0x90: {  	s2 =	sld [smem:$0x3FC9]  }
0x91: {  	s19 =	sld [smem:$0x3FC8]  }
0x92: {  	s4 =	sld [smem:$0x3FC7]  }
0x93: {  	s5 =	sld [smem:$0x3FD0];
	(tm) =	ssettm $0x1  }
0x94: {  	s6 =	sld [smem:$0x3FFB];
	_ =	sdelay $0x3  }
0x95: {  	_ =	strace s6  }
0x96: {  	s6 =	sld [smem:$0x3FFC];
	_ =	sdelay $0x3  }
0x97: {  	_ =	strace s6  }
0x98: {  	s6 =	sld [smem:$0x3FFD];
	_ =	sdelay $0x3  }
0x99: {  	_ =	strace s6  }
0x9a: {  	_ =	strace $0x8FFFFFFF  }
0x9b: {  	s20 =	sld [smem:$0x3FDB];
	_ =	sdelay $0x1  }
0x9c: {  	s7 =	simm.s32 $_scs_section_size  }
0x9d: {  	s8 =	simm.s32 $_size__tile_overlayer_lowered;
	s9 =	simm.s32 $_tile_overlayer_lowered  }
0x9e: {  	s23 =	simm.s32 $0x1BFF;
	s22 =	sshll.u32 s9, $0x1;
	s6 =	sadd.s32 s7, s20  }
0x9f: {  	s10 =	simm.s32 $0x0;
	s21 =	sshll.u32 s8, $0x1;
	s8 =	sadd.s32 s22, s6  }
0xa0: {  	[timem:s10], [sflag:s23] =	dma.local [hbm:s8], s21  }
0xa1: {  	_ =	swait.ge [sflag:s23], s21  }
0xa2: {  	s7 =	ssub.s32 $0x0, s21;
	[sflag:s23] =	ssyncset.done $0x0  }
0xa3: {  	[sflag:s23] =	ssyncadd.s32 s7;
	_ =	sdelay $0x1  }
0xa4: {  	s24 =	simm.s32 $0x1B8B  }
0xa5: {  	_ =	swait.ge [sflag:s24], $0x1  }
0xa6: {  	[sflag:s24] =	ssyncset.done $0x0  }
0xa7: {  	s25 =	simm.s32 $0x1B8E;
	[sflag:s24] =	ssyncadd.s32 $0xFFFFFFFF  }
0xa8: {  	s26 =	simm.s32 $execute0_lowered;
	[smem:$0x3FD2] =	sst s25  }
0xa9: {  	s7 =	sshll.u32 s26, $0x1;
	_ =	strace $0x80000046;
	[dreg:$0x1] =	wrdreg $0xFFFFFFFF  }
0xaa: {  	s28 =	simm.s32 $_size_execute0_lowered;
	s6 =	sadd.s32 s6, s7;
	[dreg:$0x0] =	wrdreg $0x0  }
0xab: {  	s7 =	sshll.u32 s28, $0x1;
	[dreg:$0x2] =	wrdreg s6  }
0xac: {  	[dreg:$0x3] =	wrdreg s7  }
0xad: {  	[dreg:$0x4] =	wrdreg $0xC0  }
0xae: {  	_ =	task [dreg:s10], $0x5FFFF  }
0xaf: {  	[dreg:$0x1] =	wrdreg $0xFFFFFFFF  }
0xb0: {  	[dreg:$0x0] =	wrdreg $0x60  }
0xb1: {  	[dreg:$0x2] =	wrdreg s2  }
0xb2: {  	[dreg:$0x3] =	wrdreg s19  }
0xb3: {  	[dreg:$0x4] =	wrdreg s4  }
0xb4: {  	[dreg:$0x5] =	wrdreg s5  }
0xb5: {  	[dreg:$0x6] =	wrdreg $0x9  }
0xb6: {  	_ =	task.clear_ibuf [dreg:s10], $0x7FFFF;
	_ =	strace $0x90000046  }
0xb7: {  	s29 =	simm.s32 $0x9;
	_ =	strace $0x80000048  }
0xb8: {  	_ =	swait.ge [sflag:s29], $0x1  }
0xb9: {  	[sflag:s29] =	ssyncadd.s32 $0xFFFFFFFF  }
0xba: {  	_ =	strace $0x90000048  }
0xbb: {  	_ =	sfence  }
0xbc: {  	s30 =	sld [smem:$0x0];
	_ =	sdelay $0x2  }
0xbd: {  	s31 =	sshll.u32 s1, $0xD;
	s1 =	sshrl.u32 s1, $0x2  }
0xbe: {  	s3 =	sand.u32 $0x4000, s31;
	s1 =	sadd.s32 s1, s30  }
0xbf: {  	s0 =	sor.u32 s3, s0;
	s1 =	sshll.u32 s1, $0x11  }
0xc0: {  	s0 =	sor.u32 s1, s0  }
0xc1: {  	s0 =	sadd.s32 $0x8F2B, s0  }
0xc2: {  	[sflag:s0] =	ssyncadd.remote.s32 $0x1  }
0xc3: {  	_ =	sfence.sel $0xFFFF  }
0xc4: {  	[dreg:$0x0] =	wrdreg $0xFFFFFFFF;
	(pc) =	sbr.abs _section_cstart, $3  }
0xc5: {  	[dreg:$0x1] =	wrdreg $0xFFFFFFFF  }
0xc6: {  	_ =	task.clear_ibuf [dreg:s10], $0x2FFFF;
	_ =	strace $0x9FFFFFFF  }
0xc7: {  	(tm) =	ssettm $0x7FFFFFFF  }
tec
execute0_lowered:
.L_overlay_start_1:
0x0: {  	(tag) =	ssettag $0x1  }
0x1: {  	s0 =	rddreg [dreg:$0x0]  }
0x2: {  	s2 =	rddreg [dreg:$0x1]  }
0x3: {  	s1 =	rddreg [dreg:$0x2];
	s4 =	srdreg.scid  }
0x4: {  	s3 =	rddreg [dreg:$0x3];
	s6 =	stileid.u32  }
0x5: {  	s20 =	simm.s32 $0x4;
	s29 =	simm.s32 $0x1;
	s30 =	simm.s32 $0x3  }
0x6: {  	s31 =	simm.s32 $0x0;
	s5 =	sand.u32 $0x1, s4;
	s6 =	sshll.u32 s6, $0x7  }
0x7: {  	s4 =	simm.s32 $0x0;
	s7 =	sshll.u32 s5, $0x6;
	s8 =	ssub.s32 $0x2, s5  }
0x8: {  	[smem:$0x7FF] =	sst s4;
	s5 =	sor.u32 s7, s6;
	s23 =	sshrl.u32 s8, $0x1  }
0x9: {  	_ =	strace $0x80000047;
	s9 =	sshll.u32 s5, $0x2;
	s25 =	sshrl.u32 s5, $0x3  }
0xa: {  	s8 =	ssub.s32 s8, s23;
	s24 =	sand.u32 $0x1E00, s9;
	s10 =	smul.u32 $0x300, s25  }
0xb: {  	s16 =	smax.u32 s8, $0x1;
	s6 =	sor.u32 s7, s24;
	s7 =	sor.u32 s7, s9  }
0xc: {  	s9 =	smul.u32 $0x1800, s25;
	s6 =	sshrl.u32 s6, $0x3;
	s10 =	sadd.s32 s1, s10  }
0xd: {  	s7 =	sshrl.u32 s7, $0x3;
	s6 =	sadd.s32 s0, s6;
	s28 =	sadd.s32 $0x600, s10  }
0xe: {  	s11 =	sor.u32 $0x20, s7;
	s12 =	sadd.s32 $0x10, s6;
	[dreg:$0x8] =	wrdreg s28  }
0xf: {  	s7 =	sor.u32 $0x30, s7;
	s11 =	sadd.s32 s0, s11;
	[dreg:$0x5] =	wrdreg s12  }
0x10: {  	v2 =	vlaneseq.u32;
	s26 =	sshrl.u32 s9, $0x3;
	s0 =	sadd.s32 s0, s7;
	[dreg:$0x6] =	wrdreg s11  }
0x11: {  	vm0 =	vmmov $0xffff;
	v1 =	vshrl.u32 v2, $0x3;
	[dreg:$0x7] =	wrdreg s0;
	s11 =	sadd.s32 $0x100, s2;
	s0 =	sadd.s32 s1, s26  }
0x12: {  	v0 =	vand.u32 $0x7, v2;
	v2 =	vor.u32 $0x8, v2;
	v1 =	vmul.u32 $0x8, v1;
	s12 =	sadd.s32 $0x200, s2;
	s14 =	sadd.s32 $0xC00, s0;
	s15 =	sadd.s32 $0x1200, s0  }
.LBB2_1:
0x13: {  	[tilespmem:s4], [sflag:$0x4] =	stream.linear.gather [hbm4b:s6+s4], $0x40, $0x38;
	[tilespmem:$0x1E200] =	vst v63  }
0x14: {  	s0 =	rddreg [dreg:$0x5];
	s1 =	simm.s32 $0x80  }
0x15: {  	[tilespmem:s1], [sflag:$0x4] =	stream.linear.gather [hbm4b:s0+s4], $0x40, $0x38;
	[tilespmem:$0x1E200] =	vst v63  }
0x16: {  	s8 =	rddreg [dreg:$0x6];
	s9 =	simm.s32 $0x100  }
0x17: {  	[tilespmem:s9], [sflag:$0x4] =	stream.linear.gather [hbm4b:s8+s4], $0x40, $0x38;
	[tilespmem:$0x1E200] =	vst v63  }
0x18: {  	s13 =	rddreg [dreg:$0x7];
	s17 =	simm.s32 $0x180  }
0x19: {  	[tilespmem:s17], [sflag:$0x4] =	stream.linear.gather [hbm4b:s13+s4], $0x40, $0x38;
	[tilespmem:$0x1E200] =	vst v63  }
0x1a: {  	_ =	swait.ge [sflag:s20], $0x40  }
0x1b: {  	[sflag:s20] =	ssyncset.done $0x0  }
0x1c: {  	[sflag:s20] =	ssyncadd.s32 $0xFFFFFFC0  }
0x1d: {  	_ =	swait.ge [sflag:s20], $0x40  }
0x1e: {  	[sflag:s20] =	ssyncset.done $0x0  }
0x1f: {  	[sflag:s20] =	ssyncadd.s32 $0xFFFFFFC0  }
0x20: {  	_ =	swait.ge [sflag:s20], $0x40  }
0x21: {  	[sflag:s20] =	ssyncset.done $0x0  }
0x22: {  	[sflag:s20] =	ssyncadd.s32 $0xFFFFFFC0  }
0x23: {  	_ =	swait.ge [sflag:s20], $0x40  }
0x24: {  	[sflag:s20] =	ssyncset.done $0x0  }
0x25: {  	s18 =	simm.s32 $0x200;
	[sflag:s20] =	ssyncadd.s32 $0xFFFFFFC0  }
0x26: {  	[tilespmem:s18], [sflag:$0x2] =	stream.linear.gather [hbm4b:s10+s4], $0x3000, $0x38;
	[tilespmem:$0x1E200] =	vst v63  }
0x27: {  	v3 =	vld [tilespmem:$0x0];
	_ =	sdelay $0x4  }
0x28: {  	v4 =	vshrl.u32 v3, $0x3  }
0x29: {  	v4 =	vmul.u32 $0x30, v4  }
0x2a: {  	v3 =	vand.u32 $0x7, v3  }
0x2b: {  	v3 =	vor.u32 v3, v4  }
0x2c: {  	v4 =	vperm.xlane v3, v0;
	_ =	sdelay $0x1  }
0x2d: {  	v4 =	vadd.s32 v1, v4;
	_ =	sdelay $0x3  }
0x2e: {  	s19 =	simm.s32 $0xC200;
	v3 =	vperm.xlane v3, v2  }
0x2f: {  	[tilespmem:s19], [sflag:$0x1] =	stream.indirect_vreg.gather [hbm4b:s2+s4], $0x80, v4, vm0, $0xb8;
	[tilespmem:$0x1E200] =	vst v63  }
0x30: {  	s21 =	simm.s32 $0xCA00;
	v3 =	vadd.s32 v1, v3  }
0x31: {  	[tilespmem:s21], [sflag:$0x1] =	stream.indirect_vreg.gather [hbm4b:s11+s4], $0x80, v4, vm0, $0xb8;
	[tilespmem:$0x1E200] =	vst v63  }
0x32: {  	s22 =	simm.s32 $0xD200  }
0x33: {  	[tilespmem:s22], [sflag:$0x1] =	stream.indirect_vreg.gather [hbm4b:s12+s4], $0x80, v4, vm0, $0xb8;
	[tilespmem:$0x1E200] =	vst v63  }
0x34: {  	s23 =	simm.s32 $0xDA00  }
0x35: {  	[tilespmem:s23], [sflag:$0x1] =	stream.indirect_vreg.gather [hbm4b:s2+s4], $0x80, v3, vm0, $0xb8;
	[tilespmem:$0x1E200] =	vst v63  }
0x36: {  	s24 =	simm.s32 $0xE200  }
0x37: {  	[tilespmem:s24], [sflag:$0x1] =	stream.indirect_vreg.gather [hbm4b:s11+s4], $0x80, v3, vm0, $0xb8;
	[tilespmem:$0x1E200] =	vst v63  }
0x38: {  	s25 =	simm.s32 $0xEA00  }
0x39: {  	[tilespmem:s25], [sflag:$0x1] =	stream.indirect_vreg.gather [hbm4b:s12+s4], $0x80, v3, vm0, $0xb8;
	[tilespmem:$0x1E200] =	vst v63  }
0x3a: {  	s28 =	simm.s32 $0x3200;
	s26 =	rddreg [dreg:$0x8]  }
0x3b: {  	[tilespmem:s28], [sflag:$0x2] =	stream.linear.gather [hbm4b:s26+s4], $0x3000, $0x38;
	[tilespmem:$0x1E200] =	vst v63  }
0x3c: {  	v3 =	vld [tilespmem:$0x10];
	_ =	sdelay $0x4  }
0x3d: {  	v62 =	vshrl.u32 v3, $0x3  }
0x3e: {  	v4 =	vmul.u32 $0x30, v62  }
0x3f: {  	v3 =	vand.u32 $0x7, v3  }
0x40: {  	v3 =	vor.u32 v3, v4  }
0x41: {  	v4 =	vperm.xlane v3, v0;
	_ =	sdelay $0x1  }
0x42: {  	v4 =	vadd.s32 v1, v4;
	_ =	sdelay $0x3  }
0x43: {  	s7 =	simm.s32 $0xF200;
	v3 =	vperm.xlane v3, v2  }
0x44: {  	[tilespmem:s7], [sflag:$0x1] =	stream.indirect_vreg.gather [hbm4b:s2+s4], $0x80, v4, vm0, $0xb8;
	[tilespmem:$0x1E200] =	vst v63  }
0x45: {  	s8 =	simm.s32 $0xFA00;
	v3 =	vadd.s32 v1, v3  }
0x46: {  	[tilespmem:s8], [sflag:$0x1] =	stream.indirect_vreg.gather [hbm4b:s11+s4], $0x80, v4, vm0, $0xb8;
	[tilespmem:$0x1E200] =	vst v63  }
0x47: {  	s9 =	simm.s32 $0x10200  }
0x48: {  	[tilespmem:s9], [sflag:$0x1] =	stream.indirect_vreg.gather [hbm4b:s12+s4], $0x80, v4, vm0, $0xb8;
	[tilespmem:$0x1E200] =	vst v63  }
0x49: {  	s13 =	simm.s32 $0x10A00  }
0x4a: {  	[tilespmem:s13], [sflag:$0x1] =	stream.indirect_vreg.gather [hbm4b:s2+s4], $0x80, v3, vm0, $0xb8;
	[tilespmem:$0x1E200] =	vst v63  }
0x4b: {  	s17 =	simm.s32 $0x11200  }
0x4c: {  	[tilespmem:s17], [sflag:$0x1] =	stream.indirect_vreg.gather [hbm4b:s11+s4], $0x80, v3, vm0, $0xb8;
	[tilespmem:$0x1E200] =	vst v63  }
0x4d: {  	s18 =	simm.s32 $0x11A00  }
0x4e: {  	[tilespmem:s18], [sflag:$0x1] =	stream.indirect_vreg.gather [hbm4b:s12+s4], $0x80, v3, vm0, $0xb8;
	[tilespmem:$0x1E200] =	vst v63  }
0x4f: {  	s19 =	simm.s32 $0x6200  }
0x50: {  	[tilespmem:s19], [sflag:$0x2] =	stream.linear.gather [hbm4b:s14+s4], $0x3000, $0x38;
	[tilespmem:$0x1E200] =	vst v63  }
0x51: {  	v3 =	vld [tilespmem:$0x20];
	_ =	sdelay $0x4  }
0x52: {  	v63 =	vshrl.u32 v3, $0x3  }
0x53: {  	v4 =	vmul.u32 $0x30, v63  }
0x54: {  	v3 =	vand.u32 $0x7, v3  }
0x55: {  	v3 =	vor.u32 v3, v4  }
0x56: {  	v4 =	vperm.xlane v3, v0;
	_ =	sdelay $0x1  }
0x57: {  	v4 =	vadd.s32 v1, v4;
	_ =	sdelay $0x3  }
0x58: {  	s21 =	simm.s32 $0x12200;
	v3 =	vperm.xlane v3, v2  }
0x59: {  	[tilespmem:s21], [sflag:$0x1] =	stream.indirect_vreg.gather [hbm4b:s2+s4], $0x80, v4, vm0, $0xb8;
	[tilespmem:$0x1E200] =	vst v63  }
0x5a: {  	s22 =	simm.s32 $0x12A00;
	v3 =	vadd.s32 v1, v3  }
0x5b: {  	[tilespmem:s22], [sflag:$0x1] =	stream.indirect_vreg.gather [hbm4b:s11+s4], $0x80, v4, vm0, $0xb8;
	[tilespmem:$0x1E200] =	vst v63  }
0x5c: {  	s23 =	simm.s32 $0x13200  }
0x5d: {  	[tilespmem:s23], [sflag:$0x1] =	stream.indirect_vreg.gather [hbm4b:s12+s4], $0x80, v4, vm0, $0xb8;
	[tilespmem:$0x1E200] =	vst v63  }
0x5e: {  	s24 =	simm.s32 $0x13A00  }
0x5f: {  	[tilespmem:s24], [sflag:$0x1] =	stream.indirect_vreg.gather [hbm4b:s2+s4], $0x80, v3, vm0, $0xb8;
	[tilespmem:$0x1E200] =	vst v63  }
0x60: {  	s25 =	simm.s32 $0x14200  }
0x61: {  	[tilespmem:s25], [sflag:$0x1] =	stream.indirect_vreg.gather [hbm4b:s11+s4], $0x80, v3, vm0, $0xb8;
	[tilespmem:$0x1E200] =	vst v63  }
0x62: {  	s0 =	simm.s32 $0x0;
	s26 =	simm.s32 $0x14A00  }
0x63: {  	[tilespmem:s26], [sflag:$0x1] =	stream.indirect_vreg.gather [hbm4b:s12+s4], $0x80, v3, vm0, $0xb8;
	[tilespmem:$0x1E200] =	vst v63  }
0x64: {  	s1 =	simm.s32 $0x0;
	s28 =	simm.s32 $0x9200;
	s17 =	simm.s32 $0x0  }
0x65: {  	[tilespmem:s28], [sflag:$0x2] =	stream.linear.gather [hbm4b:s15+s4], $0x3000, $0x38;
	[tilespmem:$0x1E200] =	vst v63  }
.LBB2_2:
0x66: {  	p0 =	sgt.u32 s17, $0x3  }
0x67: {  	s7 =	sand.u32 $0x3, s1;
	s8 =	simm.s32 @!p0 $0x2  }
0x68: {  	s9 =	smulhi.u32 $0xAAAAAAAB, s17;
	s7 =	sshll.u32 s7, $0x4;
	_ =	swait.ge @!p0 [sflag:s8], $0x3000  }
0x69: {  	s18 =	sshrl.u32 s7, $0x3;
	[sflag:s8] =	ssyncset.done @!p0 $0x0  }
0x6a: {  	s9 =	sshrl.u32 s9, $0x2;
	s22 =	smul.u32 $0x6000, s18;
	[sflag:s8] =	ssyncadd.s32 @!p0 $0xFFFFD000  }
0x6b: {  	s23 =	simm.s32 $0x0;
	s9 =	smul.u32 $0x60, s9;
	_ =	swait.ge [sflag:s29], $0x3000  }
0x6c: {  	s18 =	sand.u32 $0x380, s23;
	s8 =	sshra.s32 s22, $0x2;
	[sflag:s29] =	ssyncset.done $0x0  }
0x6d: {  	s9 =	ssub.s32 s0, s9;
	s25 =	sor.u32 s18, s8;
	[sflag:s29] =	ssyncadd.s32 $0xFFFFD000  }
0x6e: {  	s24 =	sshrl.u32 s9, $0x3;
	v3 =	vld [tilespmem:s25+$0x200]  }
0x6f: {  	s8 =	smul.u32 $0x6000, s24;
	_ =	sdelay $0x1  }
0x70: {  	s8 =	sshra.s32 s8, $0x2  }
0x71: {  	s18 =	sor.u32 s18, s8  }
0x72: {  	[tilespmem:s18+$0xC200] =	vst.add.f32.msk $0xffff, v3  }
0x73: {  	v3 =	vld [tilespmem:s25+$0x210];
	_ =	sdelay $0x4  }
0x74: {  	[tilespmem:s18+$0xC210] =	vst.add.f32.msk $0xffff, v3  }
0x75: {  	v3 =	vld [tilespmem:s25+$0x220];
	_ =	sdelay $0x4  }
0x76: {  	[tilespmem:s18+$0xC220] =	vst.add.f32.msk $0xffff, v3  }
0x77: {  	v3 =	vld [tilespmem:s25+$0x230];
	_ =	sdelay $0x4  }
0x78: {  	[tilespmem:s18+$0xC230] =	vst.add.f32.msk $0xffff, v3  }
0x79: {  	v3 =	vld [tilespmem:s25+$0x240];
	_ =	sdelay $0x4  }
0x7a: {  	[tilespmem:s18+$0xC240] =	vst.add.f32.msk $0xffff, v3  }
0x7b: {  	v3 =	vld [tilespmem:s25+$0x250];
	_ =	sdelay $0x4  }
0x7c: {  	[tilespmem:s18+$0xC250] =	vst.add.f32.msk $0xffff, v3  }
0x7d: {  	v3 =	vld [tilespmem:s25+$0x260];
	_ =	sdelay $0x4  }
0x7e: {  	[tilespmem:s18+$0xC260] =	vst.add.f32.msk $0xffff, v3  }
0x7f: {  	v3 =	vld [tilespmem:s25+$0x270];
	_ =	sdelay $0x4  }
0x80: {  	[tilespmem:s18+$0xC270] =	vst.add.f32.msk $0xffff, v3  }
0x81: {  	v3 =	vld [tilespmem:s25+$0x600];
	_ =	sdelay $0x4  }
0x82: {  	[tilespmem:s18+$0xC600] =	vst.add.f32.msk $0xffff, v3  }
0x83: {  	v3 =	vld [tilespmem:s25+$0x610];
	_ =	sdelay $0x4  }
0x84: {  	[tilespmem:s18+$0xC610] =	vst.add.f32.msk $0xffff, v3  }
0x85: {  	v3 =	vld [tilespmem:s25+$0x620];
	_ =	sdelay $0x4  }
0x86: {  	[tilespmem:s18+$0xC620] =	vst.add.f32.msk $0xffff, v3  }
0x87: {  	v3 =	vld [tilespmem:s25+$0x630];
	_ =	sdelay $0x4  }
0x88: {  	[tilespmem:s18+$0xC630] =	vst.add.f32.msk $0xffff, v3  }
0x89: {  	v3 =	vld [tilespmem:s25+$0x640];
	_ =	sdelay $0x4  }
0x8a: {  	[tilespmem:s18+$0xC640] =	vst.add.f32.msk $0xffff, v3  }
0x8b: {  	v3 =	vld [tilespmem:s25+$0x650];
	_ =	sdelay $0x4  }
0x8c: {  	[tilespmem:s18+$0xC650] =	vst.add.f32.msk $0xffff, v3  }
0x8d: {  	v3 =	vld [tilespmem:s25+$0x660];
	_ =	sdelay $0x3  }
0x8e: {  	s26 =	sadd.s32 $0x1, s7  }
0x8f: {  	s7 =	sshrl.u32 s26, $0x3;
	[tilespmem:s18+$0xC660] =	vst.add.f32.msk $0xffff, v3  }
0x90: {  	s7 =	smul.u32 $0x6000, s7;
	v3 =	vld [tilespmem:s25+$0x670]  }
0x91: {  	s19 =	simm.s32 $0x80  }
0x92: {  	s19 =	sand.u32 $0x380, s19;
	s7 =	sshra.s32 s7, $0x2  }
0x93: {  	s13 =	sadd.s32 $0x1, s9;
	s21 =	sor.u32 s19, s7  }
0x94: {  	s9 =	sshrl.u32 s13, $0x3;
	v4 =	vld [tilespmem:s21+$0x200]  }
0x95: {  	s9 =	smul.u32 $0x6000, s9;
	[tilespmem:s18+$0xC670] =	vst.add.f32.msk $0xffff, v3  }
0x96: {  	v3 =	vld [tilespmem:s25+$0xA00]  }
0x97: {  	s9 =	sshra.s32 s9, $0x2  }
0x98: {  	s19 =	sor.u32 s19, s9  }
0x99: {  	[tilespmem:s19+$0xC200] =	vst.add.f32.msk $0xffff, v4  }
0x9a: {  	v4 =	vld [tilespmem:s21+$0x210]  }
0x9b: {  	[tilespmem:s18+$0xCA00] =	vst.add.f32.msk $0xffff, v3  }
0x9c: {  	v3 =	vld [tilespmem:s25+$0xA10];
	_ =	sdelay $0x2  }
0x9d: {  	[tilespmem:s19+$0xC210] =	vst.add.f32.msk $0xffff, v4  }
0x9e: {  	v4 =	vld [tilespmem:s21+$0x220]  }
0x9f: {  	[tilespmem:s18+$0xCA10] =	vst.add.f32.msk $0xffff, v3  }
0xa0: {  	v3 =	vld [tilespmem:s25+$0xA20];
	_ =	sdelay $0x2  }
0xa1: {  	[tilespmem:s19+$0xC220] =	vst.add.f32.msk $0xffff, v4  }
0xa2: {  	v4 =	vld [tilespmem:s21+$0x230]  }
0xa3: {  	[tilespmem:s18+$0xCA20] =	vst.add.f32.msk $0xffff, v3  }
0xa4: {  	v3 =	vld [tilespmem:s25+$0xA30];
	_ =	sdelay $0x2  }
0xa5: {  	[tilespmem:s19+$0xC230] =	vst.add.f32.msk $0xffff, v4  }
0xa6: {  	v4 =	vld [tilespmem:s21+$0x240]  }
0xa7: {  	[tilespmem:s18+$0xCA30] =	vst.add.f32.msk $0xffff, v3  }
0xa8: {  	v3 =	vld [tilespmem:s25+$0xA40];
	_ =	sdelay $0x2  }
0xa9: {  	[tilespmem:s19+$0xC240] =	vst.add.f32.msk $0xffff, v4  }
0xaa: {  	v4 =	vld [tilespmem:s21+$0x250]  }
0xab: {  	[tilespmem:s18+$0xCA40] =	vst.add.f32.msk $0xffff, v3  }
0xac: {  	v3 =	vld [tilespmem:s25+$0xA50];
	_ =	sdelay $0x2  }
0xad: {  	[tilespmem:s19+$0xC250] =	vst.add.f32.msk $0xffff, v4  }
0xae: {  	v4 =	vld [tilespmem:s21+$0x260]  }
0xaf: {  	[tilespmem:s18+$0xCA50] =	vst.add.f32.msk $0xffff, v3  }
0xb0: {  	v3 =	vld [tilespmem:s25+$0xA60];
	_ =	sdelay $0x2  }
0xb1: {  	[tilespmem:s19+$0xC260] =	vst.add.f32.msk $0xffff, v4  }
0xb2: {  	v4 =	vld [tilespmem:s21+$0x270]  }
0xb3: {  	[tilespmem:s18+$0xCA60] =	vst.add.f32.msk $0xffff, v3  }
0xb4: {  	v3 =	vld [tilespmem:s25+$0xA70];
	_ =	sdelay $0x2  }
0xb5: {  	[tilespmem:s19+$0xC270] =	vst.add.f32.msk $0xffff, v4  }
0xb6: {  	v4 =	vld [tilespmem:s21+$0x600]  }
0xb7: {  	[tilespmem:s18+$0xCA70] =	vst.add.f32.msk $0xffff, v3  }
0xb8: {  	v3 =	vld [tilespmem:s25+$0xE00];
	_ =	sdelay $0x2  }
0xb9: {  	[tilespmem:s19+$0xC600] =	vst.add.f32.msk $0xffff, v4  }
0xba: {  	v4 =	vld [tilespmem:s21+$0x610]  }
0xbb: {  	[tilespmem:s18+$0xCE00] =	vst.add.f32.msk $0xffff, v3  }
0xbc: {  	v3 =	vld [tilespmem:s25+$0xE10];
	_ =	sdelay $0x2  }
0xbd: {  	[tilespmem:s19+$0xC610] =	vst.add.f32.msk $0xffff, v4  }
0xbe: {  	v4 =	vld [tilespmem:s21+$0x620]  }
0xbf: {  	[tilespmem:s18+$0xCE10] =	vst.add.f32.msk $0xffff, v3  }
0xc0: {  	v3 =	vld [tilespmem:s25+$0xE20];
	_ =	sdelay $0x2  }
0xc1: {  	[tilespmem:s19+$0xC620] =	vst.add.f32.msk $0xffff, v4  }
0xc2: {  	v4 =	vld [tilespmem:s21+$0x630]  }
0xc3: {  	[tilespmem:s18+$0xCE20] =	vst.add.f32.msk $0xffff, v3  }
0xc4: {  	v3 =	vld [tilespmem:s25+$0xE30];
	_ =	sdelay $0x2  }
0xc5: {  	[tilespmem:s19+$0xC630] =	vst.add.f32.msk $0xffff, v4  }
0xc6: {  	v4 =	vld [tilespmem:s21+$0x640]  }
0xc7: {  	[tilespmem:s18+$0xCE30] =	vst.add.f32.msk $0xffff, v3  }
0xc8: {  	v3 =	vld [tilespmem:s25+$0xE40];
	_ =	sdelay $0x2  }
0xc9: {  	[tilespmem:s19+$0xC640] =	vst.add.f32.msk $0xffff, v4  }
0xca: {  	v4 =	vld [tilespmem:s21+$0x650]  }
0xcb: {  	[tilespmem:s18+$0xCE40] =	vst.add.f32.msk $0xffff, v3  }
0xcc: {  	v3 =	vld [tilespmem:s25+$0xE50];
	_ =	sdelay $0x2  }
0xcd: {  	[tilespmem:s19+$0xC650] =	vst.add.f32.msk $0xffff, v4  }
0xce: {  	v4 =	vld [tilespmem:s21+$0x660]  }
0xcf: {  	[tilespmem:s18+$0xCE50] =	vst.add.f32.msk $0xffff, v3  }
0xd0: {  	v3 =	vld [tilespmem:s25+$0xE60];
	_ =	sdelay $0x1  }
0xd1: {  	s8 =	sadd.s32 $0x1, s26  }
0xd2: {  	s23 =	sshrl.u32 s8, $0x3;
	[tilespmem:s19+$0xC660] =	vst.add.f32.msk $0xffff, v4  }
0xd3: {  	s9 =	smul.u32 $0x6000, s23;
	v4 =	vld [tilespmem:s21+$0x670]  }
0xd4: {  	s22 =	simm.s32 $0x100;
	[tilespmem:s18+$0xCE60] =	vst.add.f32.msk $0xffff, v3  }
0xd5: {  	s22 =	sand.u32 $0x380, s22;
	s9 =	sshra.s32 s9, $0x2;
	v3 =	vld [tilespmem:s25+$0xE70]  }
0xd6: {  	s7 =	sadd.s32 $0x1, s13;
	s23 =	sor.u32 s22, s9  }
0xd7: {  	s24 =	sshrl.u32 s7, $0x3;
	v5 =	vld [tilespmem:s23+$0x200]  }
0xd8: {  	s9 =	smul.u32 $0x6000, s24;
	[tilespmem:s19+$0xC670] =	vst.add.f32.msk $0xffff, v4  }
0xd9: {  	v4 =	vld [tilespmem:s21+$0xA00]  }
0xda: {  	s9 =	sshra.s32 s9, $0x2;
	[tilespmem:s18+$0xCE70] =	vst.add.f32.msk $0xffff, v3  }
0xdb: {  	s22 =	sor.u32 s22, s9;
	v3 =	vld [tilespmem:s25+$0x1200]  }
0xdc: {  	[tilespmem:s22+$0xC200] =	vst.add.f32.msk $0xffff, v5  }
0xdd: {  	v5 =	vld [tilespmem:s23+$0x210]  }
0xde: {  	[tilespmem:s19+$0xCA00] =	vst.add.f32.msk $0xffff, v4  }
0xdf: {  	v4 =	vld [tilespmem:s21+$0xA10]  }
0xe0: {  	[tilespmem:s18+$0xD200] =	vst.add.f32.msk $0xffff, v3  }
0xe1: {  	v3 =	vld [tilespmem:s25+$0x1210]  }
0xe2: {  	[tilespmem:s22+$0xC210] =	vst.add.f32.msk $0xffff, v5  }
0xe3: {  	v5 =	vld [tilespmem:s23+$0x220]  }
0xe4: {  	[tilespmem:s19+$0xCA10] =	vst.add.f32.msk $0xffff, v4  }
0xe5: {  	v4 =	vld [tilespmem:s21+$0xA20]  }
0xe6: {  	[tilespmem:s18+$0xD210] =	vst.add.f32.msk $0xffff, v3  }
0xe7: {  	v3 =	vld [tilespmem:s25+$0x1220]  }
0xe8: {  	[tilespmem:s22+$0xC220] =	vst.add.f32.msk $0xffff, v5  }
0xe9: {  	v5 =	vld [tilespmem:s23+$0x230]  }
0xea: {  	[tilespmem:s19+$0xCA20] =	vst.add.f32.msk $0xffff, v4  }
0xeb: {  	v4 =	vld [tilespmem:s21+$0xA30]  }
0xec: {  	[tilespmem:s18+$0xD220] =	vst.add.f32.msk $0xffff, v3  }
0xed: {  	v3 =	vld [tilespmem:s25+$0x1230]  }
0xee: {  	[tilespmem:s22+$0xC230] =	vst.add.f32.msk $0xffff, v5  }
0xef: {  	v5 =	vld [tilespmem:s23+$0x240]  }
0xf0: {  	[tilespmem:s19+$0xCA30] =	vst.add.f32.msk $0xffff, v4  }
0xf1: {  	v4 =	vld [tilespmem:s21+$0xA40]  }
0xf2: {  	[tilespmem:s18+$0xD230] =	vst.add.f32.msk $0xffff, v3  }
0xf3: {  	v3 =	vld [tilespmem:s25+$0x1240]  }
0xf4: {  	[tilespmem:s22+$0xC240] =	vst.add.f32.msk $0xffff, v5  }
0xf5: {  	v5 =	vld [tilespmem:s23+$0x250]  }
0xf6: {  	[tilespmem:s19+$0xCA40] =	vst.add.f32.msk $0xffff, v4  }
0xf7: {  	v4 =	vld [tilespmem:s21+$0xA50]  }
0xf8: {  	[tilespmem:s18+$0xD240] =	vst.add.f32.msk $0xffff, v3  }
0xf9: {  	v3 =	vld [tilespmem:s25+$0x1250]  }
0xfa: {  	[tilespmem:s22+$0xC250] =	vst.add.f32.msk $0xffff, v5  }
0xfb: {  	v5 =	vld [tilespmem:s23+$0x260]  }
0xfc: {  	[tilespmem:s19+$0xCA50] =	vst.add.f32.msk $0xffff, v4  }
0xfd: {  	v4 =	vld [tilespmem:s21+$0xA60]  }
0xfe: {  	[tilespmem:s18+$0xD250] =	vst.add.f32.msk $0xffff, v3  }
0xff: {  	v3 =	vld [tilespmem:s25+$0x1260]  }
0x100: {  	[tilespmem:s22+$0xC260] =	vst.add.f32.msk $0xffff, v5  }
0x101: {  	v5 =	vld [tilespmem:s23+$0x270]  }
0x102: {  	[tilespmem:s19+$0xCA60] =	vst.add.f32.msk $0xffff, v4  }
0x103: {  	v4 =	vld [tilespmem:s21+$0xA70]  }
0x104: {  	[tilespmem:s18+$0xD260] =	vst.add.f32.msk $0xffff, v3  }
0x105: {  	v3 =	vld [tilespmem:s25+$0x1270]  }
0x106: {  	[tilespmem:s22+$0xC270] =	vst.add.f32.msk $0xffff, v5  }
0x107: {  	v5 =	vld [tilespmem:s23+$0x600]  }
0x108: {  	[tilespmem:s19+$0xCA70] =	vst.add.f32.msk $0xffff, v4  }
0x109: {  	v4 =	vld [tilespmem:s21+$0xE00]  }
0x10a: {  	[tilespmem:s18+$0xD270] =	vst.add.f32.msk $0xffff, v3  }
0x10b: {  	v3 =	vld [tilespmem:s25+$0x1600]  }
0x10c: {  	[tilespmem:s22+$0xC600] =	vst.add.f32.msk $0xffff, v5  }
0x10d: {  	v5 =	vld [tilespmem:s23+$0x610]  }
0x10e: {  	[tilespmem:s19+$0xCE00] =	vst.add.f32.msk $0xffff, v4  }
0x10f: {  	v4 =	vld [tilespmem:s21+$0xE10]  }
0x110: {  	[tilespmem:s18+$0xD600] =	vst.add.f32.msk $0xffff, v3  }
0x111: {  	v3 =	vld [tilespmem:s25+$0x1610]  }
0x112: {  	[tilespmem:s22+$0xC610] =	vst.add.f32.msk $0xffff, v5  }
0x113: {  	v5 =	vld [tilespmem:s23+$0x620]  }
0x114: {  	[tilespmem:s19+$0xCE10] =	vst.add.f32.msk $0xffff, v4  }
0x115: {  	v4 =	vld [tilespmem:s21+$0xE20]  }
0x116: {  	[tilespmem:s18+$0xD610] =	vst.add.f32.msk $0xffff, v3  }
0x117: {  	v3 =	vld [tilespmem:s25+$0x1620]  }
0x118: {  	[tilespmem:s22+$0xC620] =	vst.add.f32.msk $0xffff, v5  }
0x119: {  	v5 =	vld [tilespmem:s23+$0x630]  }
0x11a: {  	[tilespmem:s19+$0xCE20] =	vst.add.f32.msk $0xffff, v4  }
0x11b: {  	v4 =	vld [tilespmem:s21+$0xE30]  }
0x11c: {  	[tilespmem:s18+$0xD620] =	vst.add.f32.msk $0xffff, v3  }
0x11d: {  	v3 =	vld [tilespmem:s25+$0x1630]  }
0x11e: {  	[tilespmem:s22+$0xC630] =	vst.add.f32.msk $0xffff, v5  }
0x11f: {  	v5 =	vld [tilespmem:s23+$0x640]  }
0x120: {  	[tilespmem:s19+$0xCE30] =	vst.add.f32.msk $0xffff, v4  }
0x121: {  	v4 =	vld [tilespmem:s21+$0xE40]  }
0x122: {  	[tilespmem:s18+$0xD630] =	vst.add.f32.msk $0xffff, v3  }
0x123: {  	v3 =	vld [tilespmem:s25+$0x1640]  }
0x124: {  	[tilespmem:s22+$0xC640] =	vst.add.f32.msk $0xffff, v5  }
0x125: {  	v5 =	vld [tilespmem:s23+$0x650]  }
0x126: {  	[tilespmem:s19+$0xCE40] =	vst.add.f32.msk $0xffff, v4  }
0x127: {  	v4 =	vld [tilespmem:s21+$0xE50]  }
0x128: {  	[tilespmem:s18+$0xD640] =	vst.add.f32.msk $0xffff, v3  }
0x129: {  	v3 =	vld [tilespmem:s25+$0x1650]  }
0x12a: {  	[tilespmem:s22+$0xC650] =	vst.add.f32.msk $0xffff, v5  }
0x12b: {  	v5 =	vld [tilespmem:s23+$0x660]  }
0x12c: {  	[tilespmem:s19+$0xCE50] =	vst.add.f32.msk $0xffff, v4  }
0x12d: {  	v4 =	vld [tilespmem:s21+$0xE60]  }
0x12e: {  	[tilespmem:s18+$0xD650] =	vst.add.f32.msk $0xffff, v3  }
0x12f: {  	s26 =	smul.u32 $0xAB, s17;
	v3 =	vld [tilespmem:s25+$0x1660]  }
0x130: {  	s28 =	sadd.s32 $0x1, s8;
	[tilespmem:s22+$0xC660] =	vst.add.f32.msk $0xffff, v5  }
0x131: {  	s24 =	sshrl.u32 s28, $0x3;
	s9 =	sshrl.u32 s26, $0xA;
	v5 =	vld [tilespmem:s23+$0x670]  }
0x132: {  	s24 =	smul.u32 $0x6000, s24;
	s9 =	sand.u32 $0x3F, s9;
	[tilespmem:s19+$0xCE60] =	vst.add.f32.msk $0xffff, v4  }
0x133: {  	s26 =	simm.s32 $0x180;
	s13 =	smul.u32 $0x6, s9;
	v4 =	vld [tilespmem:s21+$0xE70]  }
0x134: {  	s7 =	sadd.s32 $0x1, s7;
	s9 =	sand.u32 $0x380, s26;
	s26 =	sshra.s32 s24, $0x2;
	[tilespmem:s18+$0xD660] =	vst.add.f32.msk $0xffff, v3  }
0x135: {  	s26 =	sor.u32 s9, s26;
	s8 =	ssub.s32 s17, s13;
	s13 =	sshll.u32 s17, $0x4;
	v3 =	vld [tilespmem:s25+$0x1670]  }
0x136: {  	v6 =	vld [tilespmem:s26+$0x200];
	s24 =	sand.u32 $0xFF, s8;
	s8 =	simm.s32 $0x200;
	s25 =	sand.u32 $0x30, s13  }
.LBB2_3:
0x137: {  	p0 =	sne.s32 s8, $0x780;
	s13 =	sshrl.u32 s7, $0x3;
	[tilespmem:s22+$0xC670] =	vst.add.f32.msk $0xffff, v5  }
0x138: {  	s13 =	smul.u32 $0x6000, s13;
	v5 =	vld [tilespmem:s23+$0xA00]  }
0x139: {  	[tilespmem:s19+$0xCE70] =	vst.add.f32.msk $0xffff, v4  }
0x13a: {  	s13 =	sshra.s32 s13, $0x2;
	[tilespmem:s18+$0xD670] =	vst.add.f32.msk $0xffff, v3;
	s18 =	smov.u32 s19;
	s19 =	smov.u32 s22  }
0x13b: {  	s22 =	sor.u32 s9, s13;
	v3 =	vld [tilespmem:s21+$0x1200]  }
0x13c: {  	[tilespmem:s22+$0xC200] =	vst.add.f32.msk $0xffff, v6  }
0x13d: {  	v4 =	vld [tilespmem:s26+$0x210]  }
0x13e: {  	[tilespmem:s19+$0xCA00] =	vst.add.f32.msk $0xffff, v5  }
0x13f: {  	v5 =	vld [tilespmem:s23+$0xA10]  }
0x140: {  	[tilespmem:s18+$0xD200] =	vst.add.f32.msk $0xffff, v3  }
0x141: {  	v3 =	vld [tilespmem:s21+$0x1210]  }
0x142: {  	[tilespmem:s22+$0xC210] =	vst.add.f32.msk $0xffff, v4  }
0x143: {  	v4 =	vld [tilespmem:s26+$0x220]  }
0x144: {  	[tilespmem:s19+$0xCA10] =	vst.add.f32.msk $0xffff, v5  }
0x145: {  	v5 =	vld [tilespmem:s23+$0xA20]  }
0x146: {  	[tilespmem:s18+$0xD210] =	vst.add.f32.msk $0xffff, v3  }
0x147: {  	v3 =	vld [tilespmem:s21+$0x1220]  }
0x148: {  	[tilespmem:s22+$0xC220] =	vst.add.f32.msk $0xffff, v4  }
0x149: {  	v4 =	vld [tilespmem:s26+$0x230]  }
0x14a: {  	[tilespmem:s19+$0xCA20] =	vst.add.f32.msk $0xffff, v5  }
0x14b: {  	v5 =	vld [tilespmem:s23+$0xA30]  }
0x14c: {  	[tilespmem:s18+$0xD220] =	vst.add.f32.msk $0xffff, v3  }
0x14d: {  	v3 =	vld [tilespmem:s21+$0x1230]  }
0x14e: {  	[tilespmem:s22+$0xC230] =	vst.add.f32.msk $0xffff, v4  }
0x14f: {  	v4 =	vld [tilespmem:s26+$0x240]  }
0x150: {  	[tilespmem:s19+$0xCA30] =	vst.add.f32.msk $0xffff, v5  }
0x151: {  	v5 =	vld [tilespmem:s23+$0xA40]  }
0x152: {  	[tilespmem:s18+$0xD230] =	vst.add.f32.msk $0xffff, v3  }
0x153: {  	v3 =	vld [tilespmem:s21+$0x1240]  }
0x154: {  	[tilespmem:s22+$0xC240] =	vst.add.f32.msk $0xffff, v4  }
0x155: {  	v4 =	vld [tilespmem:s26+$0x250]  }
0x156: {  	[tilespmem:s19+$0xCA40] =	vst.add.f32.msk $0xffff, v5  }
0x157: {  	v5 =	vld [tilespmem:s23+$0xA50]  }
0x158: {  	[tilespmem:s18+$0xD240] =	vst.add.f32.msk $0xffff, v3  }
0x159: {  	v3 =	vld [tilespmem:s21+$0x1250]  }
0x15a: {  	[tilespmem:s22+$0xC250] =	vst.add.f32.msk $0xffff, v4  }
0x15b: {  	v4 =	vld [tilespmem:s26+$0x260]  }
0x15c: {  	[tilespmem:s19+$0xCA50] =	vst.add.f32.msk $0xffff, v5  }
0x15d: {  	v5 =	vld [tilespmem:s23+$0xA60]  }
0x15e: {  	[tilespmem:s18+$0xD250] =	vst.add.f32.msk $0xffff, v3  }
0x15f: {  	v3 =	vld [tilespmem:s21+$0x1260]  }
0x160: {  	[tilespmem:s22+$0xC260] =	vst.add.f32.msk $0xffff, v4  }
0x161: {  	v4 =	vld [tilespmem:s26+$0x270]  }
0x162: {  	[tilespmem:s19+$0xCA60] =	vst.add.f32.msk $0xffff, v5  }
0x163: {  	v5 =	vld [tilespmem:s23+$0xA70]  }
0x164: {  	[tilespmem:s18+$0xD260] =	vst.add.f32.msk $0xffff, v3  }
0x165: {  	v3 =	vld [tilespmem:s21+$0x1270]  }
0x166: {  	[tilespmem:s22+$0xC270] =	vst.add.f32.msk $0xffff, v4  }
0x167: {  	v4 =	vld [tilespmem:s26+$0x600]  }
0x168: {  	[tilespmem:s19+$0xCA70] =	vst.add.f32.msk $0xffff, v5  }
0x169: {  	v5 =	vld [tilespmem:s23+$0xE00]  }
0x16a: {  	[tilespmem:s18+$0xD270] =	vst.add.f32.msk $0xffff, v3  }
0x16b: {  	v3 =	vld [tilespmem:s21+$0x1600]  }
0x16c: {  	[tilespmem:s22+$0xC600] =	vst.add.f32.msk $0xffff, v4  }
0x16d: {  	v4 =	vld [tilespmem:s26+$0x610]  }
0x16e: {  	[tilespmem:s19+$0xCE00] =	vst.add.f32.msk $0xffff, v5  }
0x16f: {  	v5 =	vld [tilespmem:s23+$0xE10]  }
0x170: {  	[tilespmem:s18+$0xD600] =	vst.add.f32.msk $0xffff, v3  }
0x171: {  	v3 =	vld [tilespmem:s21+$0x1610]  }
0x172: {  	[tilespmem:s22+$0xC610] =	vst.add.f32.msk $0xffff, v4  }
0x173: {  	v4 =	vld [tilespmem:s26+$0x620]  }
0x174: {  	[tilespmem:s19+$0xCE10] =	vst.add.f32.msk $0xffff, v5  }
0x175: {  	v5 =	vld [tilespmem:s23+$0xE20]  }
0x176: {  	[tilespmem:s18+$0xD610] =	vst.add.f32.msk $0xffff, v3  }
0x177: {  	v3 =	vld [tilespmem:s21+$0x1620]  }
0x178: {  	[tilespmem:s22+$0xC620] =	vst.add.f32.msk $0xffff, v4  }
0x179: {  	v4 =	vld [tilespmem:s26+$0x630]  }
0x17a: {  	[tilespmem:s19+$0xCE20] =	vst.add.f32.msk $0xffff, v5  }
0x17b: {  	v5 =	vld [tilespmem:s23+$0xE30]  }
0x17c: {  	[tilespmem:s18+$0xD620] =	vst.add.f32.msk $0xffff, v3  }
0x17d: {  	v3 =	vld [tilespmem:s21+$0x1630]  }
0x17e: {  	[tilespmem:s22+$0xC630] =	vst.add.f32.msk $0xffff, v4  }
0x17f: {  	v4 =	vld [tilespmem:s26+$0x640]  }
0x180: {  	[tilespmem:s19+$0xCE30] =	vst.add.f32.msk $0xffff, v5  }
0x181: {  	v5 =	vld [tilespmem:s23+$0xE40]  }
0x182: {  	[tilespmem:s18+$0xD630] =	vst.add.f32.msk $0xffff, v3  }
0x183: {  	v3 =	vld [tilespmem:s21+$0x1640]  }
0x184: {  	[tilespmem:s22+$0xC640] =	vst.add.f32.msk $0xffff, v4  }
0x185: {  	v4 =	vld [tilespmem:s26+$0x650]  }
0x186: {  	[tilespmem:s19+$0xCE40] =	vst.add.f32.msk $0xffff, v5  }
0x187: {  	v5 =	vld [tilespmem:s23+$0xE50]  }
0x188: {  	[tilespmem:s18+$0xD640] =	vst.add.f32.msk $0xffff, v3  }
0x189: {  	v3 =	vld [tilespmem:s21+$0x1650]  }
0x18a: {  	[tilespmem:s22+$0xC650] =	vst.add.f32.msk $0xffff, v4  }
0x18b: {  	v4 =	vld [tilespmem:s26+$0x660]  }
0x18c: {  	[tilespmem:s19+$0xCE50] =	vst.add.f32.msk $0xffff, v5  }
0x18d: {  	v6 =	vld [tilespmem:s23+$0xE60]  }
0x18e: {  	[tilespmem:s18+$0xD650] =	vst.add.f32.msk $0xffff, v3  }
0x18f: {  	s28 =	sadd.s32 $0x1, s28;
	v3 =	vld [tilespmem:s21+$0x1660]  }
0x190: {  	s9 =	sshrl.u32 s28, $0x3;
	[tilespmem:s22+$0xC660] =	vst.add.f32.msk $0xffff, v4  }
0x191: {  	s13 =	smul.u32 $0x6000, s9;
	v5 =	vld [tilespmem:s26+$0x670]  }
.Ltmp0:
0x192: {  	[tilespmem:s19+$0xCE60] =	vst.add.f32.msk $0xffff, v6;
	(pc) =	sbr.rel @p0 .LBB2_3-.Ltmp0, $4  }
0x193: {  	v4 =	vld [tilespmem:s23+$0xE70]  }
0x194: {  	s9 =	sand.u32 $0x380, s8;
	s13 =	sshra.s32 s13, $0x2;
	[tilespmem:s18+$0xD660] =	vst.add.f32.msk $0xffff, v3  }
0x195: {  	v3 =	vld [tilespmem:s21+$0x1670];
	s21 =	smov.u32 s23;
	s23 =	smov.u32 s26;
	s26 =	sor.u32 s9, s13  }
0x196: {  	s7 =	sadd.s32 $0x1, s7;
	s8 =	sadd.s32 $0x80, s8;
	v6 =	vld [tilespmem:s26+$0x200]  }
0x197: {  	s7 =	sshrl.u32 s7, $0x3  }
0x198: {  	s7 =	smul.u32 $0x6000, s7;
	_ =	sdelay $0x1  }
0x199: {  	s7 =	sshra.s32 s7, $0x2  }
0x19a: {  	s7 =	sor.u32 s9, s7  }
0x19b: {  	[tilespmem:s7+$0xC200] =	vst.add.f32.msk $0xffff, v6  }
0x19c: {  	v6 =	vld [tilespmem:s26+$0x210];
	_ =	sdelay $0x4  }
0x19d: {  	[tilespmem:s7+$0xC210] =	vst.add.f32.msk $0xffff, v6  }
0x19e: {  	v6 =	vld [tilespmem:s26+$0x220];
	_ =	sdelay $0x4  }
0x19f: {  	[tilespmem:s7+$0xC220] =	vst.add.f32.msk $0xffff, v6  }
0x1a0: {  	v6 =	vld [tilespmem:s26+$0x230];
	_ =	sdelay $0x4  }
0x1a1: {  	[tilespmem:s7+$0xC230] =	vst.add.f32.msk $0xffff, v6  }
0x1a2: {  	v6 =	vld [tilespmem:s26+$0x240];
	_ =	sdelay $0x4  }
0x1a3: {  	[tilespmem:s7+$0xC240] =	vst.add.f32.msk $0xffff, v6  }
0x1a4: {  	v6 =	vld [tilespmem:s26+$0x250];
	_ =	sdelay $0x4  }
0x1a5: {  	[tilespmem:s7+$0xC250] =	vst.add.f32.msk $0xffff, v6  }
0x1a6: {  	v6 =	vld [tilespmem:s26+$0x260];
	_ =	sdelay $0x4  }
0x1a7: {  	[tilespmem:s7+$0xC260] =	vst.add.f32.msk $0xffff, v6  }
0x1a8: {  	v6 =	vld [tilespmem:s26+$0x270];
	_ =	sdelay $0x4  }
0x1a9: {  	[tilespmem:s7+$0xC270] =	vst.add.f32.msk $0xffff, v6  }
0x1aa: {  	v6 =	vld [tilespmem:s26+$0x600];
	_ =	sdelay $0x4  }
0x1ab: {  	[tilespmem:s7+$0xC600] =	vst.add.f32.msk $0xffff, v6  }
0x1ac: {  	v6 =	vld [tilespmem:s26+$0x610];
	_ =	sdelay $0x4  }
0x1ad: {  	[tilespmem:s7+$0xC610] =	vst.add.f32.msk $0xffff, v6  }
0x1ae: {  	v6 =	vld [tilespmem:s26+$0x620];
	_ =	sdelay $0x4  }
0x1af: {  	[tilespmem:s7+$0xC620] =	vst.add.f32.msk $0xffff, v6  }
0x1b0: {  	v6 =	vld [tilespmem:s26+$0x630];
	_ =	sdelay $0x4  }
0x1b1: {  	[tilespmem:s7+$0xC630] =	vst.add.f32.msk $0xffff, v6  }
0x1b2: {  	v6 =	vld [tilespmem:s26+$0x640];
	_ =	sdelay $0x4  }
0x1b3: {  	[tilespmem:s7+$0xC640] =	vst.add.f32.msk $0xffff, v6  }
0x1b4: {  	v6 =	vld [tilespmem:s26+$0x650];
	_ =	sdelay $0x4  }
0x1b5: {  	[tilespmem:s7+$0xC650] =	vst.add.f32.msk $0xffff, v6  }
0x1b6: {  	v6 =	vld [tilespmem:s26+$0x660];
	_ =	sdelay $0x4  }
0x1b7: {  	[tilespmem:s7+$0xC660] =	vst.add.f32.msk $0xffff, v6  }
0x1b8: {  	v6 =	vld [tilespmem:s26+$0x670];
	_ =	sdelay $0x2  }
0x1b9: {  	[tilespmem:s22+$0xC670] =	vst.add.f32.msk $0xffff, v5  }
0x1ba: {  	v5 =	vld [tilespmem:s23+$0xA00]  }
0x1bb: {  	[tilespmem:s7+$0xC670] =	vst.add.f32.msk $0xffff, v6  }
0x1bc: {  	v6 =	vld [tilespmem:s26+$0xA00];
	_ =	sdelay $0x2  }
0x1bd: {  	[tilespmem:s22+$0xCA00] =	vst.add.f32.msk $0xffff, v5  }
0x1be: {  	v5 =	vld [tilespmem:s23+$0xA10]  }
0x1bf: {  	[tilespmem:s7+$0xCA00] =	vst.add.f32.msk $0xffff, v6  }
0x1c0: {  	v6 =	vld [tilespmem:s26+$0xA10];
	_ =	sdelay $0x2  }
0x1c1: {  	[tilespmem:s22+$0xCA10] =	vst.add.f32.msk $0xffff, v5  }
0x1c2: {  	v5 =	vld [tilespmem:s23+$0xA20]  }
0x1c3: {  	[tilespmem:s7+$0xCA10] =	vst.add.f32.msk $0xffff, v6  }
0x1c4: {  	v6 =	vld [tilespmem:s26+$0xA20];
	_ =	sdelay $0x2  }
0x1c5: {  	[tilespmem:s22+$0xCA20] =	vst.add.f32.msk $0xffff, v5  }
0x1c6: {  	v5 =	vld [tilespmem:s23+$0xA30]  }
0x1c7: {  	[tilespmem:s7+$0xCA20] =	vst.add.f32.msk $0xffff, v6  }
0x1c8: {  	v6 =	vld [tilespmem:s26+$0xA30];
	_ =	sdelay $0x2  }
0x1c9: {  	[tilespmem:s22+$0xCA30] =	vst.add.f32.msk $0xffff, v5  }
0x1ca: {  	v5 =	vld [tilespmem:s23+$0xA40]  }
0x1cb: {  	[tilespmem:s7+$0xCA30] =	vst.add.f32.msk $0xffff, v6  }
0x1cc: {  	v6 =	vld [tilespmem:s26+$0xA40];
	_ =	sdelay $0x2  }
0x1cd: {  	[tilespmem:s22+$0xCA40] =	vst.add.f32.msk $0xffff, v5  }
0x1ce: {  	v5 =	vld [tilespmem:s23+$0xA50]  }
0x1cf: {  	[tilespmem:s7+$0xCA40] =	vst.add.f32.msk $0xffff, v6  }
0x1d0: {  	v6 =	vld [tilespmem:s26+$0xA50];
	_ =	sdelay $0x2  }
0x1d1: {  	[tilespmem:s22+$0xCA50] =	vst.add.f32.msk $0xffff, v5  }
0x1d2: {  	v5 =	vld [tilespmem:s23+$0xA60]  }
0x1d3: {  	[tilespmem:s7+$0xCA50] =	vst.add.f32.msk $0xffff, v6  }
0x1d4: {  	v6 =	vld [tilespmem:s26+$0xA60];
	_ =	sdelay $0x2  }
0x1d5: {  	[tilespmem:s22+$0xCA60] =	vst.add.f32.msk $0xffff, v5  }
0x1d6: {  	v5 =	vld [tilespmem:s23+$0xA70]  }
0x1d7: {  	[tilespmem:s7+$0xCA60] =	vst.add.f32.msk $0xffff, v6  }
0x1d8: {  	v6 =	vld [tilespmem:s26+$0xA70];
	_ =	sdelay $0x2  }
0x1d9: {  	[tilespmem:s22+$0xCA70] =	vst.add.f32.msk $0xffff, v5  }
0x1da: {  	v5 =	vld [tilespmem:s23+$0xE00]  }
0x1db: {  	[tilespmem:s7+$0xCA70] =	vst.add.f32.msk $0xffff, v6  }
0x1dc: {  	v6 =	vld [tilespmem:s26+$0xE00];
	_ =	sdelay $0x2  }
0x1dd: {  	[tilespmem:s22+$0xCE00] =	vst.add.f32.msk $0xffff, v5  }
0x1de: {  	v5 =	vld [tilespmem:s23+$0xE10]  }
0x1df: {  	[tilespmem:s7+$0xCE00] =	vst.add.f32.msk $0xffff, v6  }
0x1e0: {  	v6 =	vld [tilespmem:s26+$0xE10];
	_ =	sdelay $0x2  }
0x1e1: {  	[tilespmem:s22+$0xCE10] =	vst.add.f32.msk $0xffff, v5  }
0x1e2: {  	v5 =	vld [tilespmem:s23+$0xE20]  }
0x1e3: {  	[tilespmem:s7+$0xCE10] =	vst.add.f32.msk $0xffff, v6  }
0x1e4: {  	v6 =	vld [tilespmem:s26+$0xE20];
	_ =	sdelay $0x2  }
0x1e5: {  	[tilespmem:s22+$0xCE20] =	vst.add.f32.msk $0xffff, v5  }
0x1e6: {  	v5 =	vld [tilespmem:s23+$0xE30]  }
0x1e7: {  	[tilespmem:s7+$0xCE20] =	vst.add.f32.msk $0xffff, v6  }
0x1e8: {  	v6 =	vld [tilespmem:s26+$0xE30];
	_ =	sdelay $0x2  }
0x1e9: {  	[tilespmem:s22+$0xCE30] =	vst.add.f32.msk $0xffff, v5  }
0x1ea: {  	v5 =	vld [tilespmem:s23+$0xE40]  }
0x1eb: {  	[tilespmem:s7+$0xCE30] =	vst.add.f32.msk $0xffff, v6  }
0x1ec: {  	v6 =	vld [tilespmem:s26+$0xE40];
	_ =	sdelay $0x2  }
0x1ed: {  	[tilespmem:s22+$0xCE40] =	vst.add.f32.msk $0xffff, v5  }
0x1ee: {  	v5 =	vld [tilespmem:s23+$0xE50]  }
0x1ef: {  	[tilespmem:s7+$0xCE40] =	vst.add.f32.msk $0xffff, v6  }
0x1f0: {  	v6 =	vld [tilespmem:s26+$0xE50];
	_ =	sdelay $0x2  }
0x1f1: {  	[tilespmem:s22+$0xCE50] =	vst.add.f32.msk $0xffff, v5  }
0x1f2: {  	v5 =	vld [tilespmem:s23+$0xE60]  }
0x1f3: {  	[tilespmem:s7+$0xCE50] =	vst.add.f32.msk $0xffff, v6  }
0x1f4: {  	v6 =	vld [tilespmem:s26+$0xE60];
	_ =	sdelay $0x2  }
0x1f5: {  	[tilespmem:s22+$0xCE60] =	vst.add.f32.msk $0xffff, v5  }
0x1f6: {  	v5 =	vld [tilespmem:s23+$0xE70]  }
0x1f7: {  	[tilespmem:s7+$0xCE60] =	vst.add.f32.msk $0xffff, v6  }
0x1f8: {  	v6 =	vld [tilespmem:s26+$0xE70]  }
0x1f9: {  	[tilespmem:s19+$0xCE70] =	vst.add.f32.msk $0xffff, v4  }
0x1fa: {  	v4 =	vld [tilespmem:s21+$0x1200]  }
0x1fb: {  	[tilespmem:s22+$0xCE70] =	vst.add.f32.msk $0xffff, v5  }
0x1fc: {  	v5 =	vld [tilespmem:s23+$0x1200]  }
0x1fd: {  	[tilespmem:s7+$0xCE70] =	vst.add.f32.msk $0xffff, v6  }
0x1fe: {  	v6 =	vld [tilespmem:s26+$0x1200]  }
0x1ff: {  	[tilespmem:s19+$0xD200] =	vst.add.f32.msk $0xffff, v4  }
0x200: {  	v4 =	vld [tilespmem:s21+$0x1210]  }
0x201: {  	[tilespmem:s22+$0xD200] =	vst.add.f32.msk $0xffff, v5  }
0x202: {  	v5 =	vld [tilespmem:s23+$0x1210]  }
0x203: {  	[tilespmem:s7+$0xD200] =	vst.add.f32.msk $0xffff, v6  }
0x204: {  	v6 =	vld [tilespmem:s26+$0x1210]  }
0x205: {  	[tilespmem:s19+$0xD210] =	vst.add.f32.msk $0xffff, v4  }
0x206: {  	v4 =	vld [tilespmem:s21+$0x1220]  }
0x207: {  	[tilespmem:s22+$0xD210] =	vst.add.f32.msk $0xffff, v5  }
0x208: {  	v5 =	vld [tilespmem:s23+$0x1220]  }
0x209: {  	[tilespmem:s7+$0xD210] =	vst.add.f32.msk $0xffff, v6  }
0x20a: {  	v6 =	vld [tilespmem:s26+$0x1220]  }
0x20b: {  	[tilespmem:s19+$0xD220] =	vst.add.f32.msk $0xffff, v4  }
0x20c: {  	v4 =	vld [tilespmem:s21+$0x1230]  }
0x20d: {  	[tilespmem:s22+$0xD220] =	vst.add.f32.msk $0xffff, v5  }
0x20e: {  	v5 =	vld [tilespmem:s23+$0x1230]  }
0x20f: {  	[tilespmem:s7+$0xD220] =	vst.add.f32.msk $0xffff, v6  }
0x210: {  	v6 =	vld [tilespmem:s26+$0x1230]  }
0x211: {  	[tilespmem:s19+$0xD230] =	vst.add.f32.msk $0xffff, v4  }
0x212: {  	v4 =	vld [tilespmem:s21+$0x1240]  }
0x213: {  	[tilespmem:s22+$0xD230] =	vst.add.f32.msk $0xffff, v5  }
0x214: {  	v5 =	vld [tilespmem:s23+$0x1240]  }
0x215: {  	[tilespmem:s7+$0xD230] =	vst.add.f32.msk $0xffff, v6  }
0x216: {  	v6 =	vld [tilespmem:s26+$0x1240]  }
0x217: {  	[tilespmem:s19+$0xD240] =	vst.add.f32.msk $0xffff, v4  }
0x218: {  	v4 =	vld [tilespmem:s21+$0x1250]  }
0x219: {  	[tilespmem:s22+$0xD240] =	vst.add.f32.msk $0xffff, v5  }
0x21a: {  	v5 =	vld [tilespmem:s23+$0x1250]  }
0x21b: {  	[tilespmem:s7+$0xD240] =	vst.add.f32.msk $0xffff, v6  }
0x21c: {  	v6 =	vld [tilespmem:s26+$0x1250]  }
0x21d: {  	[tilespmem:s19+$0xD250] =	vst.add.f32.msk $0xffff, v4  }
0x21e: {  	v4 =	vld [tilespmem:s21+$0x1260]  }
0x21f: {  	[tilespmem:s22+$0xD250] =	vst.add.f32.msk $0xffff, v5  }
0x220: {  	v5 =	vld [tilespmem:s23+$0x1260]  }
0x221: {  	[tilespmem:s7+$0xD250] =	vst.add.f32.msk $0xffff, v6  }
0x222: {  	v6 =	vld [tilespmem:s26+$0x1260]  }
0x223: {  	[tilespmem:s19+$0xD260] =	vst.add.f32.msk $0xffff, v4  }
0x224: {  	v4 =	vld [tilespmem:s21+$0x1270]  }
0x225: {  	[tilespmem:s22+$0xD260] =	vst.add.f32.msk $0xffff, v5  }
0x226: {  	v5 =	vld [tilespmem:s23+$0x1270]  }
0x227: {  	[tilespmem:s7+$0xD260] =	vst.add.f32.msk $0xffff, v6  }
0x228: {  	v6 =	vld [tilespmem:s26+$0x1270]  }
0x229: {  	[tilespmem:s19+$0xD270] =	vst.add.f32.msk $0xffff, v4  }
0x22a: {  	v4 =	vld [tilespmem:s21+$0x1600]  }
0x22b: {  	[tilespmem:s22+$0xD270] =	vst.add.f32.msk $0xffff, v5  }
0x22c: {  	v5 =	vld [tilespmem:s23+$0x1600]  }
0x22d: {  	[tilespmem:s7+$0xD270] =	vst.add.f32.msk $0xffff, v6  }
0x22e: {  	v6 =	vld [tilespmem:s26+$0x1600]  }
0x22f: {  	[tilespmem:s19+$0xD600] =	vst.add.f32.msk $0xffff, v4  }
0x230: {  	v4 =	vld [tilespmem:s21+$0x1610]  }
0x231: {  	[tilespmem:s22+$0xD600] =	vst.add.f32.msk $0xffff, v5  }
0x232: {  	v5 =	vld [tilespmem:s23+$0x1610]  }
0x233: {  	[tilespmem:s7+$0xD600] =	vst.add.f32.msk $0xffff, v6  }
0x234: {  	v6 =	vld [tilespmem:s26+$0x1610]  }
0x235: {  	[tilespmem:s19+$0xD610] =	vst.add.f32.msk $0xffff, v4  }
0x236: {  	v4 =	vld [tilespmem:s21+$0x1620]  }
0x237: {  	[tilespmem:s22+$0xD610] =	vst.add.f32.msk $0xffff, v5  }
0x238: {  	v5 =	vld [tilespmem:s23+$0x1620]  }
0x239: {  	[tilespmem:s7+$0xD610] =	vst.add.f32.msk $0xffff, v6  }
0x23a: {  	v6 =	vld [tilespmem:s26+$0x1620]  }
0x23b: {  	[tilespmem:s19+$0xD620] =	vst.add.f32.msk $0xffff, v4  }
0x23c: {  	v4 =	vld [tilespmem:s21+$0x1630]  }
0x23d: {  	[tilespmem:s22+$0xD620] =	vst.add.f32.msk $0xffff, v5  }
0x23e: {  	v5 =	vld [tilespmem:s23+$0x1630]  }
0x23f: {  	[tilespmem:s7+$0xD620] =	vst.add.f32.msk $0xffff, v6  }
0x240: {  	v6 =	vld [tilespmem:s26+$0x1630]  }
0x241: {  	[tilespmem:s19+$0xD630] =	vst.add.f32.msk $0xffff, v4  }
0x242: {  	v4 =	vld [tilespmem:s21+$0x1640]  }
0x243: {  	[tilespmem:s22+$0xD630] =	vst.add.f32.msk $0xffff, v5  }
0x244: {  	v5 =	vld [tilespmem:s23+$0x1640]  }
0x245: {  	[tilespmem:s7+$0xD630] =	vst.add.f32.msk $0xffff, v6  }
0x246: {  	v6 =	vld [tilespmem:s26+$0x1640]  }
0x247: {  	[tilespmem:s19+$0xD640] =	vst.add.f32.msk $0xffff, v4  }
0x248: {  	v4 =	vld [tilespmem:s21+$0x1650]  }
0x249: {  	[tilespmem:s22+$0xD640] =	vst.add.f32.msk $0xffff, v5  }
0x24a: {  	v5 =	vld [tilespmem:s23+$0x1650]  }
0x24b: {  	[tilespmem:s7+$0xD640] =	vst.add.f32.msk $0xffff, v6  }
0x24c: {  	v6 =	vld [tilespmem:s26+$0x1650]  }
0x24d: {  	[tilespmem:s19+$0xD650] =	vst.add.f32.msk $0xffff, v4  }
0x24e: {  	v4 =	vld [tilespmem:s21+$0x1660]  }
0x24f: {  	[tilespmem:s22+$0xD650] =	vst.add.f32.msk $0xffff, v5  }
0x250: {  	v5 =	vld [tilespmem:s23+$0x1660]  }
0x251: {  	[tilespmem:s7+$0xD650] =	vst.add.f32.msk $0xffff, v6  }
0x252: {  	v6 =	vld [tilespmem:s26+$0x1660]  }
0x253: {  	[tilespmem:s19+$0xD660] =	vst.add.f32.msk $0xffff, v4  }
0x254: {  	v4 =	vld [tilespmem:s21+$0x1670]  }
0x255: {  	[tilespmem:s22+$0xD660] =	vst.add.f32.msk $0xffff, v5  }
0x256: {  	s8 =	sshll.u32 s17, $0x9;
	v5 =	vld [tilespmem:s23+$0x1670]  }
0x257: {  	s8 =	sand.u32 $0x1800, s8;
	[tilespmem:s7+$0xD660] =	vst.add.f32.msk $0xffff, v6  }
0x258: {  	s8 =	sor.u32 s5, s8;
	v6 =	vld [tilespmem:s26+$0x1670]  }
0x259: {  	s8 =	sor.u32 s25, s8  }
0x25a: {  	[tilespmem:s18+$0xD670] =	vst.add.f32.msk $0xffff, v3;
	s8 =	sshrl.u32 s8, $0x3;
	s26 =	smul.u32 $0xC000, s24  }
0x25b: {  	s8 =	smul.u32 $0x300, s8;
	[tilespmem:s19+$0xD670] =	vst.add.f32.msk $0xffff, v4  }
0x25c: {  	p0 =	slt.u32 s17, $0x3;
	[tilespmem:s22+$0xD670] =	vst.add.f32.msk $0xffff, v5;
	s9 =	sshrl.u32 s26, $0x2  }
0x25d: {  	s8 =	sadd.s32 s3, s8;
	s28 =	sadd.s32 $0xC200, s9;
	[tilespmem:s7+$0xD670] =	vst.add.f32.msk $0xffff, v6;
	s7 =	simm.s32 @!p0 $0x3  }
0x25e: {  	[hbm4b:s8+s4] =	stream.linear.scatter [tilespmem:s28], [sflag:$0x3], $0x3000, $0x38;
	[tilespmem:$0x1E200] =	vst v63  }
0x25f: {  	p1 =	sgt.u32 @!p0 s17, $0xC;
	_ =	swait.ge @!p0 [sflag:s7], $0x3000  }
0x260: {  	p1 =	por p0, !p1;
	[sflag:s7] =	ssyncset.done @!p0 $0x0  }
0x261: {  	[sflag:s7] =	ssyncadd.s32 @!p0 $0xFFFFD000;
	s7 =	sadd.s32 @p1 $0x3, s17  }
0x262: {  	s8 =	sshll.u32 @p1 s7, $0x4;
	s9 =	sshll.u32 @p1 s7, $0x5  }
0x263: {  	s8 =	sand.u32 @p1 $0x30, s8;
	s9 =	sand.u32 @p1 $0x380, s9  }
0x264: {  	s8 =	sor.u32 @p1 s8, s9  }
0x265: {  	v3 =	vld @p1 [tilespmem:s8+$0x0];
	_ =	sdelay $0x3  }
0x266: {  	s8 =	smul.u32 @p1 $0xAB, s7  }
0x267: {  	v4 =	vshrl.u32 @p1 v3, $0x3  }
0x268: {  	s8 =	sshrl.u32 @p1 s8, $0xA;
	v4 =	vmul.u32 @p1 $0x30, v4  }
0x269: {  	s8 =	sand.u32 @p1 $0x3F, s8;
	v3 =	vand.u32 @p1 $0x7, v3  }
0x26a: {  	s8 =	smul.u32 @p1 $0x6, s8;
	v3 =	vor.u32 @p1 v3, v4  }
0x26b: {  	v4 =	vperm.xlane @p1 v3, v0  }
0x26c: {  	s7 =	ssub.s32 @p1 s7, s8  }
0x26d: {  	s7 =	sand.u32 @p1 $0xFF, s7;
	v4 =	vadd.s32 @p1 v1, v4  }
0x26e: {  	s7 =	smul.u32 @p1 $0xC000, s7;
	_ =	sdelay $0x1  }
0x26f: {  	s7 =	sshrl.u32 @p1 s7, $0x2  }
0x270: {  	v3 =	vperm.xlane @p1 v3, v2;
	s8 =	sadd.s32 @p1 $0xC200, s7  }
0x271: {  	[tilespmem:s8], [sflag:$0x1] =	stream.indirect_vreg.gather @p1 [hbm4b:s2+s4], $0x80, v4, vm0, $0xb8;
	[tilespmem:$0x1E200] =	vst v63  }
0x272: {  	v3 =	vadd.s32 @p1 v1, v3;
	s8 =	sadd.s32 @p1 $0xCA00, s7  }
0x273: {  	[tilespmem:s8], [sflag:$0x1] =	stream.indirect_vreg.gather @p1 [hbm4b:s11+s4], $0x80, v4, vm0, $0xb8;
	[tilespmem:$0x1E200] =	vst v63  }
0x274: {  	s17 =	sadd.s32 $0x1, s17;
	s8 =	sadd.s32 @p1 $0xD200, s7  }
0x275: {  	[tilespmem:s8], [sflag:$0x1] =	stream.indirect_vreg.gather @p1 [hbm4b:s12+s4], $0x80, v4, vm0, $0xb8;
	[tilespmem:$0x1E200] =	vst v63  }
0x276: {  	p0 =	sne.s32 s17, $0x10;
	s8 =	sadd.s32 @p1 $0xDA00, s7  }
0x277: {  	[tilespmem:s8], [sflag:$0x1] =	stream.indirect_vreg.gather @p1 [hbm4b:s2+s4], $0x80, v3, vm0, $0xb8;
	[tilespmem:$0x1E200] =	vst v63  }
.Ltmp1:
0x278: {  	_ = 	snop;
	(pc) =	sbr.rel @p0 .LBB2_2-.Ltmp1, $4  }
0x279: {  	s8 =	sadd.s32 @p1 $0xE200, s7  }
0x27a: {  	[tilespmem:s8], [sflag:$0x1] =	stream.indirect_vreg.gather @p1 [hbm4b:s11+s4], $0x80, v3, vm0, $0xb8;
	[tilespmem:$0x1E200] =	vst v63  }
0x27b: {  	s1 =	sadd.s32 $0x1, s1;
	s0 =	sadd.s32 $0x10, s0;
	s7 =	sadd.s32 @p1 $0xEA00, s7  }
0x27c: {  	[tilespmem:s7], [sflag:$0x1] =	stream.indirect_vreg.gather @p1 [hbm4b:s12+s4], $0x80, v3, vm0, $0xb8;
	[tilespmem:$0x1E200] =	vst v63  }
0x27d: {  	_ =	swait.ge [sflag:s30], $0x3000  }
0x27e: {  	[sflag:s30] =	ssyncset.done $0x0  }
0x27f: {  	s31 =	sadd.s32 $0x1, s31;
	[sflag:s30] =	ssyncadd.s32 $0xFFFFD000  }
0x280: {  	p0 =	sne.s32 s31, s16;
	_ =	swait.ge [sflag:s30], $0x3000  }
.Ltmp2:
0x281: {  	[sflag:s30] =	ssyncset.done $0x0;
	(pc) =	sbr.rel @p0 .LBB2_1-.Ltmp2, $4  }
0x282: {  	[sflag:s30] =	ssyncadd.s32 $0xFFFFD000  }
0x283: {  	_ =	swait.ge [sflag:s30], $0x3000  }
0x284: {  	[sflag:s30] =	ssyncset.done $0x0  }
0x285: {  	[sflag:s30] =	ssyncadd.s32 $0xFFFFD000  }
0x286: {  	_ =	sfence.sel $0x180000  }
0x287: {  	[bflag:$0x0] =	sbarrier.arrive $0xFFFF  }
0x288: {  	_ =	strace $0x90000047  }
0x289: {  	s0 =	stileid.u32;
	[bflag:$0x2] =	sbarrier.arrive $0xFFFF  }
0x28a: {  	p0 =	sne.s32 s0, $0x0;
	s0 =	rddreg [dreg:$0x4]  }
0x28b: {  	s0 =	sadd.s32 @!p0 $0x100000, s0  }
0x28c: {  	[sflag:s0] =	ssyncadd.tile.s32 @!p0 $0x1;
	_ =	shalt  }
.Lfunc_end2:
_tile_overlayer_lowered:
.L_overlay_start_2:
0x28d: {  	(tag) =	ssettag $0x2  }
0x28e: {  	s0 =	rddreg [dreg:$0x0];
	s2 =	stileid.u32  }
0x28f: {  	s1 =	rddreg [dreg:$0x1];
	p0 =	sne.s32 s2, $0x0  }
0x290: {  	s3 =	rddreg [dreg:$0x2];
	[bflag:$0x3] =	sbarrier.arrive $0xFFFF;
	s2 =	simm.s32 @!p0 $0x1C05  }
0x291: {  	[timem:s3], [sflag:s2] =	dma.local @!p0 [hbm:s0], s1  }
0x292: {  	s0 =	simm.s32 @!p0 $0x5  }
0x293: {  	_ =	swait.ge @!p0 [sflag:s0], s1  }
0x294: {  	s1 =	ssub.s32 @!p0 $0x0, s1;
	[sflag:s0] =	ssyncset.done @!p0 $0x0  }
0x295: {  	[sflag:s0] =	ssyncadd.s32 @!p0 s1  }
0x296: {  	[bflag:$0x3] =	sbarrier.arrive $0xFFFF  }
0x297: {  	_ =	shalt  }

</sc_bundles>
